<compile_context>
chip_gen: v7x
topology: tpu7x:2x2x1
jax: 0.10.2.dev20260603
libtpu: 0.0.44.dev20260713+nightly
codegen_flags: <defaults>
</compile_context>

<pallas_src>
import functools

import jax
import jax.numpy as jnp
from jax import lax
from jax.experimental import pallas as pl
from jax.experimental.pallas import tpu as pltpu
from jax.experimental.pallas import tpu_sc as plsc

_NC = 2
_NS = 16
_NW = _NC * _NS
_CB = 5120
_NB = 3


def _sqrt16(s):
    i = lax.bitcast_convert_type(s, jnp.int32)
    i = 0x5F3759DF - lax.shift_right_arithmetic(i, 1)
    y = lax.bitcast_convert_type(i, jnp.float32)
    y = y * (1.5 - 0.5 * s * y * y)
    y = y * (1.5 - 0.5 * s * y * y)
    return s * y


def _make_norm_kernel(E):
    nchunk = E // _CB
    mesh = plsc.VectorSubcoreMesh(core_axis_name="c", subcore_axis_name="s")

    @functools.partial(
        pl.kernel,
        mesh=mesh,
        out_type=[
            jax.ShapeDtypeStruct((E,), jnp.float32),
            jax.ShapeDtypeStruct((3, E), jnp.float32),
        ],
        scratch_types=(
            [pltpu.VMEM((3, _CB), jnp.float32)] * _NB
            + [pltpu.VMEM((_CB,), jnp.float32)] * _NB
            + [pltpu.SemaphoreType.DMA] * (3 * _NB)
        ),
    )
    def norm_k(evt_hbm, w_hbm, evtc_hbm, *bufs):
        vbs = bufs[0:_NB]
        obs = bufs[_NB:2 * _NB]
        sems = bufs[2 * _NB:]
        sivs = sems[0:_NB]
        sovs = sems[_NB:2 * _NB]
        sows = sems[2 * _NB:3 * _NB]

        wid = lax.axis_index("s") * _NC + lax.axis_index("c")
        base, rem = nchunk // _NW, nchunk % _NW
        nk = base + jnp.where(wid < rem, 1, 0)
        start = wid * base + lax.min(wid, rem)

        def off_of(i):
            return (start + i) * _CB

        def in_v(i, b):
            return pltpu.make_async_copy(
                evt_hbm.at[:, pl.ds(off_of(i), _CB)], vbs[b], sivs[b])

        def out_v(i, b):
            return pltpu.make_async_copy(
                vbs[b], evtc_hbm.at[:, pl.ds(off_of(i), _CB)], sovs[b])

        def out_w(i, b):
            return pltpu.make_async_copy(
                obs[b], w_hbm.at[pl.ds(off_of(i), _CB)], sows[b])

        for b in range(2):
            @pl.when(nk > b)
            def _(b=b):
                in_v(b, b).start()

        def run_chunk(i, b):
            bn = (b + 2) % _NB

            @pl.when(i + 2 < nk)
            def _():
                @pl.when(i >= 1)
                def _():
                    out_v(i - 1, bn).wait()

                in_v(i + 2, bn).start()

            vb, ob = vbs[b], obs[b]
            in_v(i, b).wait()
            out_v(i, b).start()

            @pl.when(i >= _NB)
            def _():
                out_w(i - _NB, b).wait()

            @plsc.parallel_loop(0, _CB // 16, unroll=8)
            def _(g):
                x = vb[0, pl.ds(g * 16, 16)]
                y = vb[1, pl.ds(g * 16, 16)]
                z = vb[2, pl.ds(g * 16, 16)]
                ob[pl.ds(g * 16, 16)] = _sqrt16(x * x + y * y + z * z)

            out_w(i, b).start()

        def triple(p, c):
            for b in range(_NB):
                i = _NB * p + b

                @pl.when(i < nk)
                def _(i=i, b=b):
                    run_chunk(i, b)

            return c

        nk_max = (nchunk + _NW - 1) // _NW
        lax.fori_loop(0, (nk_max + _NB - 1) // _NB, triple, 0)

        for b in range(_NB):
            i_b = nk - 1 - lax.rem(nk - 1 - b, _NB)

            @pl.when(nk > b)
            def _(i_b=i_b, b=b):
                out_w(i_b, b).wait()
                out_v(i_b, b).wait()

    return norm_k


def kernel(edge_index, edge_vec):
    E = edge_vec.shape[0]
    w, evt_c = _make_norm_kernel(E)(edge_vec.T)
    return (edge_index, w, evt_c.T)

# --- scband reference (transcript-rebuilt; emitter-appended) ---
"""Pipeline reference for scband-distance-39135742001767 (READ-ONLY COPY).

The authoritative reference and input builder live on the scoring server;
editing this copy changes nothing except your own understanding.
"""

import jax, jax.numpy as jnp
import numpy as np

E = 3200000
N_NODES = 100000

def setup_inputs(seed: int = 0) -> dict:
    key = jax.random.key(seed)
    k1, k2 = jax.random.split(key)
    edge_index = jax.random.randint(k1, (2, E), 0, N_NODES, dtype=jnp.int64)
    edge_vec = jax.random.normal(k2, (E, 3), dtype=jnp.float32)
    return {"edge_index": edge_index, "edge_vec": edge_vec}

def reference(edge_index, edge_vec):
    # add_self_loops=False path: edge_weight = ||edge_vec||_2 along last dim
    edge_weight = jnp.linalg.norm(edge_vec, axis=-1)
    return (edge_index, edge_weight, edge_vec)

if __name__ == "__main__":
    import jax
    _d = setup_inputs()
    print(jax.jit(kernel)(*tuple(_d.values())))

</pallas_src>

<mosaic_0001>
#map = affine_map<(d0, d1) -> (0, 0)>
#map1 = affine_map<(d0, d1) -> (0)>
module attributes {stable_mosaic.version = 14 : i64} {
  func.func @norm_k(%arg0: i32, %arg1: i32, %arg2: memref<3x3200000xf32, #tpu.memory_space<hbm>>, %arg3: memref<3200000xf32, #tpu.memory_space<hbm>>, %arg4: memref<3x3200000xf32, #tpu.memory_space<hbm>>, %arg5: memref<3x5120xf32, #tpu.memory_space<vmem>>, %arg6: memref<3x5120xf32, #tpu.memory_space<vmem>>, %arg7: memref<3x5120xf32, #tpu.memory_space<vmem>>, %arg8: memref<5120xf32, #tpu.memory_space<vmem>>, %arg9: memref<5120xf32, #tpu.memory_space<vmem>>, %arg10: memref<5120xf32, #tpu.memory_space<vmem>>, %arg11: memref<!tpu.dma_semaphore, #tpu.memory_space<semaphore_mem>>, %arg12: memref<!tpu.dma_semaphore, #tpu.memory_space<semaphore_mem>>, %arg13: memref<!tpu.dma_semaphore, #tpu.memory_space<semaphore_mem>>, %arg14: memref<!tpu.dma_semaphore, #tpu.memory_space<semaphore_mem>>, %arg15: memref<!tpu.dma_semaphore, #tpu.memory_space<semaphore_mem>>, %arg16: memref<!tpu.dma_semaphore, #tpu.memory_space<semaphore_mem>>, %arg17: memref<!tpu.dma_semaphore, #tpu.memory_space<semaphore_mem>>, %arg18: memref<!tpu.dma_semaphore, #tpu.memory_space<semaphore_mem>>, %arg19: memref<!tpu.dma_semaphore, #tpu.memory_space<semaphore_mem>>) attributes {dimension_semantics = [#tpu.dimension_semantics<core_parallel>, #tpu.dimension_semantics<subcore_parallel>], iteration_bounds = array<i64: 2, 16>, scalar_prefetch = 0 : i64, scratch_operands = 15 : i64, tpu.core_type = #tpu.core_type<sc_vector_subcore>, window_params = [{transform_indices = #map}, {transform_indices = #map1}, {transform_indices = #map}]} {
    %mul3A = arith.constant 2 : i32
    %mul3A_0 = arith.muli %arg1, %mul3A : i32
    %add3A = arith.addi %mul3A_0, %arg0 : i32
    %lt3A = arith.constant 17 : i32
    %lt3A_1 = arith.cmpi slt, %add3A, %lt3A : i32
    %jit3A = arith.constant 1 : i32
    %jit3A_2 = arith.constant 0 : i32
    %select_n3A = arith.select %lt3A_1, %jit3A, %jit3A_2 : i32
    %add3A_3 = arith.constant 19 : i32
    %add3A_4 = arith.addi %add3A_3, %select_n3A : i32
    %mul3A_5 = arith.constant 19 : i32
    %mul3A_6 = arith.muli %add3A, %mul3A_5 : i32
    %min3A = arith.constant 17 : i32
    %min3A_7 = arith.minsi %add3A, %min3A : i32
    %add3A_8 = arith.addi %mul3A_6, %min3A_7 : i32
    %gt3A = arith.constant 0 : i32
    %gt3A_9 = arith.cmpi sgt, %add3A_4, %gt3A : i32
    %convert_element_type3A = arith.extui %gt3A_9 : i1 to i32
    %cond3A = arith.constant 0 : i32
    %cond3A_10 = arith.cmpi ne, %convert_element_type3A, %cond3A : i32
    scf.if %cond3A_10 {
      %add3A_61 = arith.constant 0 : i32
      %add3A_62 = arith.addi %add3A_8, %add3A_61 : i32
      %mul3A_63 = arith.constant 5120 : i32
      %mul3A_64 = arith.muli %add3A_62, %mul3A_63 : i32
      %dma_start3A = arith.constant 0 : i32
      %dma_start3A_65 = tpu.memref_slice %arg2[%dma_start3A, %mul3A_64] : memref<3x3200000xf32, #tpu.memory_space<hbm>> -> memref<3x5120xf32, #tpu.memory_space<hbm>>
      %dma_start3A_66 = arith.constant 0 : i32
      %dma_start3A_67 = tpu.memref_slice %arg2[%dma_start3A_66, %mul3A_64] : memref<3x3200000xf32, #tpu.memory_space<hbm>> -> memref<3x5120xf32, #tpu.memory_space<hbm>>
      tpu.enqueue_dma source(%dma_start3A_67 : memref<3x5120xf32, #tpu.memory_space<hbm>>) target(%arg5 : memref<3x5120xf32, #tpu.memory_space<vmem>>) target_semaphore(%arg11 : memref<!tpu.dma_semaphore, #tpu.memory_space<semaphore_mem>>)
    } else {
    }
    %gt3A_11 = arith.constant 1 : i32
    %gt3A_12 = arith.cmpi sgt, %add3A_4, %gt3A_11 : i32
    %convert_element_type3A_13 = arith.extui %gt3A_12 : i1 to i32
    %cond3A_14 = arith.constant 0 : i32
    %cond3A_15 = arith.cmpi ne, %convert_element_type3A_13, %cond3A_14 : i32
    scf.if %cond3A_15 {
      %add3A_61 = arith.constant 1 : i32
      %add3A_62 = arith.addi %add3A_8, %add3A_61 : i32
      %mul3A_63 = arith.constant 5120 : i32
      %mul3A_64 = arith.muli %add3A_62, %mul3A_63 : i32
      %dma_start3A = arith.constant 0 : i32
      %dma_start3A_65 = tpu.memref_slice %arg2[%dma_start3A, %mul3A_64] : memref<3x3200000xf32, #tpu.memory_space<hbm>> -> memref<3x5120xf32, #tpu.memory_space<hbm>>
      %dma_start3A_66 = arith.constant 0 : i32
      %dma_start3A_67 = tpu.memref_slice %arg2[%dma_start3A_66, %mul3A_64] : memref<3x3200000xf32, #tpu.memory_space<hbm>> -> memref<3x5120xf32, #tpu.memory_space<hbm>>
      tpu.enqueue_dma source(%dma_start3A_67 : memref<3x5120xf32, #tpu.memory_space<hbm>>) target(%arg6 : memref<3x5120xf32, #tpu.memory_space<vmem>>) target_semaphore(%arg12 : memref<!tpu.dma_semaphore, #tpu.memory_space<semaphore_mem>>)
    } else {
    }
    %scan3A = arith.constant 0 : i32
    %scan3A_16 = arith.constant 0 : i32
    %scan3A_17 = arith.constant 7 : i32
    %scan3A_18 = arith.addi %scan3A_16, %scan3A_17 : i32
    %scan3A_19 = arith.constant 1 : i32
    scf.for %scan3A_61 = %scan3A_16 to %scan3A_18 step %scan3A_19  : i32 {
      %mul3A_62 = arith.constant 3 : i32
      %mul3A_63 = arith.muli %mul3A_62, %scan3A_61 : i32
      %add3A_64 = arith.constant 0 : i32
      %add3A_65 = arith.addi %mul3A_63, %add3A_64 : i32
      %lt3A_66 = arith.cmpi slt, %add3A_65, %add3A_4 : i32
      %convert_element_type3A_67 = arith.extui %lt3A_66 : i1 to i32
      %cond3A_68 = arith.constant 0 : i32
      %cond3A_69 = arith.cmpi ne, %convert_element_type3A_67, %cond3A_68 : i32
      scf.if %cond3A_69 {
        %add3A_86 = arith.constant 2 : i32
        %add3A_87 = arith.addi %add3A_65, %add3A_86 : i32
        %lt3A_88 = arith.cmpi slt, %add3A_87, %add3A_4 : i32
        %convert_element_type3A_89 = arith.extui %lt3A_88 : i1 to i32
        %cond3A_90 = arith.constant 0 : i32
        %cond3A_91 = arith.cmpi ne, %convert_element_type3A_89, %cond3A_90 : i32
        scf.if %cond3A_91 {
          %ge3A_115 = arith.constant 1 : i32
          %ge3A_116 = arith.cmpi sge, %add3A_65, %ge3A_115 : i32
          %convert_element_type3A_117 = arith.extui %ge3A_116 : i1 to i32
          %cond3A_118 = arith.constant 0 : i32
          %cond3A_119 = arith.cmpi ne, %convert_element_type3A_117, %cond3A_118 : i32
          scf.if %cond3A_119 {
            %sub3A_129 = arith.constant 1 : i32
            %sub3A_130 = arith.subi %add3A_65, %sub3A_129 : i32
            %add3A_131 = arith.addi %add3A_8, %sub3A_130 : i32
            %mul3A_132 = arith.constant 5120 : i32
            %mul3A_133 = arith.muli %add3A_131, %mul3A_132 : i32
            %dma_wait3A_134 = arith.constant 0 : i32
            %dma_wait3A_135 = tpu.memref_slice %arg4[%dma_wait3A_134, %mul3A_133] : memref<3x3200000xf32, #tpu.memory_space<hbm>> -> memref<3x5120xf32, #tpu.memory_space<hbm>>
            %dma_wait3A_136 = arith.constant 0 : i32
            %dma_wait3A_137 = tpu.memref_slice %arg4[%dma_wait3A_136, %mul3A_133] : memref<3x3200000xf32, #tpu.memory_space<hbm>> -> memref<3x5120xf32, #tpu.memory_space<hbm>>
            tpu.wait_dma2 semaphore(%arg16 : memref<!tpu.dma_semaphore, #tpu.memory_space<semaphore_mem>>) src(%arg7 : memref<3x5120xf32, #tpu.memory_space<vmem>>) dst(%dma_wait3A_137 : memref<3x5120xf32, #tpu.memory_space<hbm>>)
          } else {
          }
          %add3A_120 = arith.constant 2 : i32
          %add3A_121 = arith.addi %add3A_65, %add3A_120 : i32
          %add3A_122 = arith.addi %add3A_8, %add3A_121 : i32
          %mul3A_123 = arith.constant 5120 : i32
          %mul3A_124 = arith.muli %add3A_122, %mul3A_123 : i32
          %dma_start3A_125 = arith.constant 0 : i32
          %dma_start3A_126 = tpu.memref_slice %arg2[%dma_start3A_125, %mul3A_124] : memref<3x3200000xf32, #tpu.memory_space<hbm>> -> memref<3x5120xf32, #tpu.memory_space<hbm>>
          %dma_start3A_127 = arith.constant 0 : i32
          %dma_start3A_128 = tpu.memref_slice %arg2[%dma_start3A_127, %mul3A_124] : memref<3x3200000xf32, #tpu.memory_space<hbm>> -> memref<3x5120xf32, #tpu.memory_space<hbm>>
          tpu.enqueue_dma source(%dma_start3A_128 : memref<3x5120xf32, #tpu.memory_space<hbm>>) target(%arg7 : memref<3x5120xf32, #tpu.memory_space<vmem>>) target_semaphore(%arg13 : memref<!tpu.dma_semaphore, #tpu.memory_space<semaphore_mem>>)
        } else {
        }
        %add3A_92 = arith.addi %add3A_8, %add3A_65 : i32
        %mul3A_93 = arith.constant 5120 : i32
        %mul3A_94 = arith.muli %add3A_92, %mul3A_93 : i32
        %dma_wait3A = arith.constant 0 : i32
        %dma_wait3A_95 = tpu.memref_slice %arg2[%dma_wait3A, %mul3A_94] : memref<3x3200000xf32, #tpu.memory_space<hbm>> -> memref<3x5120xf32, #tpu.memory_space<hbm>>
        %dma_wait3A_96 = arith.constant 0 : i32
        %dma_wait3A_97 = tpu.memref_slice %arg2[%dma_wait3A_96, %mul3A_94] : memref<3x3200000xf32, #tpu.memory_space<hbm>> -> memref<3x5120xf32, #tpu.memory_space<hbm>>
        tpu.wait_dma2 semaphore(%arg11 : memref<!tpu.dma_semaphore, #tpu.memory_space<semaphore_mem>>) src(%dma_wait3A_97 : memref<3x5120xf32, #tpu.memory_space<hbm>>) dst(%arg5 : memref<3x5120xf32, #tpu.memory_space<vmem>>)
        %add3A_98 = arith.addi %add3A_8, %add3A_65 : i32
        %mul3A_99 = arith.constant 5120 : i32
        %mul3A_100 = arith.muli %add3A_98, %mul3A_99 : i32
        %dma_start3A = arith.constant 0 : i32
        %dma_start3A_101 = tpu.memref_slice %arg4[%dma_start3A, %mul3A_100] : memref<3x3200000xf32, #tpu.memory_space<hbm>> -> memref<3x5120xf32, #tpu.memory_space<hbm>>
        %dma_start3A_102 = arith.constant 0 : i32
        %dma_start3A_103 = tpu.memref_slice %arg4[%dma_start3A_102, %mul3A_100] : memref<3x3200000xf32, #tpu.memory_space<hbm>> -> memref<3x5120xf32, #tpu.memory_space<hbm>>
        tpu.enqueue_dma source(%arg5 : memref<3x5120xf32, #tpu.memory_space<vmem>>) target(%dma_start3A_103 : memref<3x5120xf32, #tpu.memory_space<hbm>>) target_semaphore(%arg14 : memref<!tpu.dma_semaphore, #tpu.memory_space<semaphore_mem>>)
        %ge3A = arith.constant 3 : i32
        %ge3A_104 = arith.cmpi sge, %add3A_65, %ge3A : i32
        %convert_element_type3A_105 = arith.extui %ge3A_104 : i1 to i32
        %cond3A_106 = arith.constant 0 : i32
        %cond3A_107 = arith.cmpi ne, %convert_element_type3A_105, %cond3A_106 : i32
        scf.if %cond3A_107 {
          %sub3A_115 = arith.constant 3 : i32
          %sub3A_116 = arith.subi %add3A_65, %sub3A_115 : i32
          %add3A_117 = arith.addi %add3A_8, %sub3A_116 : i32
          %mul3A_118 = arith.constant 5120 : i32
          %mul3A_119 = arith.muli %add3A_117, %mul3A_118 : i32
          %dma_wait3A_120 = tpu.memref_slice %arg3[%mul3A_119] : memref<3200000xf32, #tpu.memory_space<hbm>> -> memref<5120xf32, #tpu.memory_space<hbm>>
          %dma_wait3A_121 = tpu.memref_slice %arg3[%mul3A_119] : memref<3200000xf32, #tpu.memory_space<hbm>> -> memref<5120xf32, #tpu.memory_space<hbm>>
          tpu.wait_dma2 semaphore(%arg17 : memref<!tpu.dma_semaphore, #tpu.memory_space<semaphore_mem>>) src(%arg8 : memref<5120xf32, #tpu.memory_space<vmem>>) dst(%dma_wait3A_121 : memref<5120xf32, #tpu.memory_space<hbm>>)
        } else {
        }
        %parallel_loop3A = arith.constant 0 : i32
        %parallel_loop3A_108 = arith.constant 320 : i32
        %parallel_loop3A_109 = arith.constant 1 : i32
        scf.for %parallel_loop3A_115 = %parallel_loop3A to %parallel_loop3A_108 step %parallel_loop3A_109  : i32 {
          %parallel_loop3A_116 = arith.constant 16 : i32
          %parallel_loop3A_117 = arith.muli %parallel_loop3A_115, %parallel_loop3A_116 : i32
          %parallel_loop3A_118 = arith.constant 0 : i32
          %parallel_loop3A_119 = arith.index_cast %parallel_loop3A_118 : i32 to index
          %parallel_loop3A_120 = arith.index_cast %parallel_loop3A_117 : i32 to index
          %parallel_loop3A_121 = tpu.vector_load %arg5[%parallel_loop3A_119, %parallel_loop3A_120] {strides = array<i32>} : memref<3x5120xf32, #tpu.memory_space<vmem>>, vector<1x16xf32>,
          %parallel_loop3A_122 = vector.shape_cast %parallel_loop3A_121 : vector<1x16xf32> to vector<16xf32>
          %parallel_loop3A_123 = arith.constant 16 : i32
          %parallel_loop3A_124 = arith.muli %parallel_loop3A_115, %parallel_loop3A_123 : i32
          %parallel_loop3A_125 = arith.constant 1 : i32
          %parallel_loop3A_126 = arith.index_cast %parallel_loop3A_125 : i32 to index
          %parallel_loop3A_127 = arith.index_cast %parallel_loop3A_124 : i32 to index
          %parallel_loop3A_128 = tpu.vector_load %arg5[%parallel_loop3A_126, %parallel_loop3A_127] {strides = array<i32>} : memref<3x5120xf32, #tpu.memory_space<vmem>>, vector<1x16xf32>,
          %parallel_loop3A_129 = vector.shape_cast %parallel_loop3A_128 : vector<1x16xf32> to vector<16xf32>
          %parallel_loop3A_130 = arith.constant 16 : i32
          %parallel_loop3A_131 = arith.muli %parallel_loop3A_115, %parallel_loop3A_130 : i32
          %parallel_loop3A_132 = arith.constant 2 : i32
          %parallel_loop3A_133 = arith.index_cast %parallel_loop3A_132 : i32 to index
          %parallel_loop3A_134 = arith.index_cast %parallel_loop3A_131 : i32 to index
          %parallel_loop3A_135 = tpu.vector_load %arg5[%parallel_loop3A_133, %parallel_loop3A_134] {strides = array<i32>} : memref<3x5120xf32, #tpu.memory_space<vmem>>, vector<1x16xf32>,
          %parallel_loop3A_136 = vector.shape_cast %parallel_loop3A_135 : vector<1x16xf32> to vector<16xf32>
          %parallel_loop3A_137 = arith.mulf %parallel_loop3A_122, %parallel_loop3A_122 : vector<16xf32>
          %parallel_loop3A_138 = arith.mulf %parallel_loop3A_129, %parallel_loop3A_129 : vector<16xf32>
          %parallel_loop3A_139 = arith.addf %parallel_loop3A_137, %parallel_loop3A_138 : vector<16xf32>
          %parallel_loop3A_140 = arith.mulf %parallel_loop3A_136, %parallel_loop3A_136 : vector<16xf32>
          %parallel_loop3A_141 = arith.addf %parallel_loop3A_139, %parallel_loop3A_140 : vector<16xf32>
          %parallel_loop3A_142 = tpu.bitcast %parallel_loop3A_141 : vector<16xf32> -> vector<16xi32>
          %parallel_loop3A_143 = arith.constant 1 : i32
          %parallel_loop3A_144 = vector.broadcast %parallel_loop3A_143 : i32 to vector<16xi32>
          %parallel_loop3A_145 = arith.shrsi %parallel_loop3A_142, %parallel_loop3A_144 : vector<16xi32>
          %parallel_loop3A_146 = arith.constant 1597463007 : i32
          %parallel_loop3A_147 = vector.broadcast %parallel_loop3A_146 : i32 to vector<16xi32>
          %parallel_loop3A_148 = arith.subi %parallel_loop3A_147, %parallel_loop3A_145 : vector<16xi32>
          %parallel_loop3A_149 = tpu.bitcast %parallel_loop3A_148 : vector<16xi32> -> vector<16xf32>
          %parallel_loop3A_150 = arith.constant 5.000000e-01 : f32
          %parallel_loop3A_151 = vector.broadcast %parallel_loop3A_150 : f32 to vector<16xf32>
          %parallel_loop3A_152 = arith.mulf %parallel_loop3A_151, %parallel_loop3A_141 : vector<16xf32>
          %parallel_loop3A_153 = arith.mulf %parallel_loop3A_152, %parallel_loop3A_149 : vector<16xf32>
          %parallel_loop3A_154 = arith.mulf %parallel_loop3A_153, %parallel_loop3A_149 : vector<16xf32>
          %parallel_loop3A_155 = arith.constant 1.500000e+00 : f32
          %parallel_loop3A_156 = vector.broadcast %parallel_loop3A_155 : f32 to vector<16xf32>
          %parallel_loop3A_157 = arith.subf %parallel_loop3A_156, %parallel_loop3A_154 : vector<16xf32>
          %parallel_loop3A_158 = arith.mulf %parallel_loop3A_149, %parallel_loop3A_157 : vector<16xf32>
          %parallel_loop3A_159 = arith.constant 5.000000e-01 : f32
          %parallel_loop3A_160 = vector.broadcast %parallel_loop3A_159 : f32 to vector<16xf32>
          %parallel_loop3A_161 = arith.mulf %parallel_loop3A_160, %parallel_loop3A_141 : vector<16xf32>
          %parallel_loop3A_162 = arith.mulf %parallel_loop3A_161, %parallel_loop3A_158 : vector<16xf32>
          %parallel_loop3A_163 = arith.mulf %parallel_loop3A_162, %parallel_loop3A_158 : vector<16xf32>
          %parallel_loop3A_164 = arith.constant 1.500000e+00 : f32
          %parallel_loop3A_165 = vector.broadcast %parallel_loop3A_164 : f32 to vector<16xf32>
          %parallel_loop3A_166 = arith.subf %parallel_loop3A_165, %parallel_loop3A_163 : vector<16xf32>
          %parallel_loop3A_167 = arith.mulf %parallel_loop3A_158, %parallel_loop3A_166 : vector<16xf32>
          %parallel_loop3A_168 = arith.mulf %parallel_loop3A_141, %parallel_loop3A_167 : vector<16xf32>
          %parallel_loop3A_169 = arith.constant 16 : i32
          %parallel_loop3A_170 = arith.muli %parallel_loop3A_115, %parallel_loop3A_169 : i32
          %parallel_loop3A_171 = arith.index_cast %parallel_loop3A_170 : i32 to index
          %parallel_loop3A_172 = tpu.vector_load %arg8[%parallel_loop3A_171] {strides = array<i32>} : memref<5120xf32, #tpu.memory_space<vmem>>, vector<16xf32>,
          %parallel_loop3A_173 = vector.shape_cast %parallel_loop3A_172 : vector<16xf32> to vector<16xf32>
          %parallel_loop3A_174 = vector.shape_cast %parallel_loop3A_168 : vector<16xf32> to vector<16xf32>
          tpu.vector_store %arg8[%parallel_loop3A_171], %parallel_loop3A_174 {strides = array<i32>} : memref<5120xf32, #tpu.memory_space<vmem>>, vector<16xf32>,
        } {sc.loop_unroll_factor = 8 : i64, sc.parallel_access}
        %add3A_110 = arith.addi %add3A_8, %add3A_65 : i32
        %mul3A_111 = arith.constant 5120 : i32
        %mul3A_112 = arith.muli %add3A_110, %mul3A_111 : i32
        %dma_start3A_113 = tpu.memref_slice %arg3[%mul3A_112] : memref<3200000xf32, #tpu.memory_space<hbm>> -> memref<5120xf32, #tpu.memory_space<hbm>>
        %dma_start3A_114 = tpu.memref_slice %arg3[%mul3A_112] : memref<3200000xf32, #tpu.memory_space<hbm>> -> memref<5120xf32, #tpu.memory_space<hbm>>
        tpu.enqueue_dma source(%arg8 : memref<5120xf32, #tpu.memory_space<vmem>>) target(%dma_start3A_114 : memref<5120xf32, #tpu.memory_space<hbm>>) target_semaphore(%arg17 : memref<!tpu.dma_semaphore, #tpu.memory_space<semaphore_mem>>)
      } else {
      }
      %mul3A_70 = arith.constant 3 : i32
      %mul3A_71 = arith.muli %mul3A_70, %scan3A_61 : i32
      %add3A_72 = arith.constant 1 : i32
      %add3A_73 = arith.addi %mul3A_71, %add3A_72 : i32
      %lt3A_74 = arith.cmpi slt, %add3A_73, %add3A_4 : i32
      %convert_element_type3A_75 = arith.extui %lt3A_74 : i1 to i32
      %cond3A_76 = arith.constant 0 : i32
      %cond3A_77 = arith.cmpi ne, %convert_element_type3A_75, %cond3A_76 : i32
      scf.if %cond3A_77 {
        %add3A_86 = arith.constant 2 : i32
        %add3A_87 = arith.addi %add3A_73, %add3A_86 : i32
        %lt3A_88 = arith.cmpi slt, %add3A_87, %add3A_4 : i32
        %convert_element_type3A_89 = arith.extui %lt3A_88 : i1 to i32
        %cond3A_90 = arith.constant 0 : i32
        %cond3A_91 = arith.cmpi ne, %convert_element_type3A_89, %cond3A_90 : i32
        scf.if %cond3A_91 {
          %ge3A_115 = arith.constant 1 : i32
          %ge3A_116 = arith.cmpi sge, %add3A_73, %ge3A_115 : i32
          %convert_element_type3A_117 = arith.extui %ge3A_116 : i1 to i32
          %cond3A_118 = arith.constant 0 : i32
          %cond3A_119 = arith.cmpi ne, %convert_element_type3A_117, %cond3A_118 : i32
          scf.if %cond3A_119 {
            %sub3A_129 = arith.constant 1 : i32
            %sub3A_130 = arith.subi %add3A_73, %sub3A_129 : i32
            %add3A_131 = arith.addi %add3A_8, %sub3A_130 : i32
            %mul3A_132 = arith.constant 5120 : i32
            %mul3A_133 = arith.muli %add3A_131, %mul3A_132 : i32
            %dma_wait3A_134 = arith.constant 0 : i32
            %dma_wait3A_135 = tpu.memref_slice %arg4[%dma_wait3A_134, %mul3A_133] : memref<3x3200000xf32, #tpu.memory_space<hbm>> -> memref<3x5120xf32, #tpu.memory_space<hbm>>
            %dma_wait3A_136 = arith.constant 0 : i32
            %dma_wait3A_137 = tpu.memref_slice %arg4[%dma_wait3A_136, %mul3A_133] : memref<3x3200000xf32, #tpu.memory_space<hbm>> -> memref<3x5120xf32, #tpu.memory_space<hbm>>
            tpu.wait_dma2 semaphore(%arg14 : memref<!tpu.dma_semaphore, #tpu.memory_space<semaphore_mem>>) src(%arg5 : memref<3x5120xf32, #tpu.memory_space<vmem>>) dst(%dma_wait3A_137 : memref<3x5120xf32, #tpu.memory_space<hbm>>)
          } else {
          }
          %add3A_120 = arith.constant 2 : i32
          %add3A_121 = arith.addi %add3A_73, %add3A_120 : i32
          %add3A_122 = arith.addi %add3A_8, %add3A_121 : i32
          %mul3A_123 = arith.constant 5120 : i32
          %mul3A_124 = arith.muli %add3A_122, %mul3A_123 : i32
          %dma_start3A_125 = arith.constant 0 : i32
          %dma_start3A_126 = tpu.memref_slice %arg2[%dma_start3A_125, %mul3A_124] : memref<3x3200000xf32, #tpu.memory_space<hbm>> -> memref<3x5120xf32, #tpu.memory_space<hbm>>
          %dma_start3A_127 = arith.constant 0 : i32
          %dma_start3A_128 = tpu.memref_slice %arg2[%dma_start3A_127, %mul3A_124] : memref<3x3200000xf32, #tpu.memory_space<hbm>> -> memref<3x5120xf32, #tpu.memory_space<hbm>>
          tpu.enqueue_dma source(%dma_start3A_128 : memref<3x5120xf32, #tpu.memory_space<hbm>>) target(%arg5 : memref<3x5120xf32, #tpu.memory_space<vmem>>) target_semaphore(%arg11 : memref<!tpu.dma_semaphore, #tpu.memory_space<semaphore_mem>>)
        } else {
        }
        %add3A_92 = arith.addi %add3A_8, %add3A_73 : i32
        %mul3A_93 = arith.constant 5120 : i32
        %mul3A_94 = arith.muli %add3A_92, %mul3A_93 : i32
        %dma_wait3A = arith.constant 0 : i32
        %dma_wait3A_95 = tpu.memref_slice %arg2[%dma_wait3A, %mul3A_94] : memref<3x3200000xf32, #tpu.memory_space<hbm>> -> memref<3x5120xf32, #tpu.memory_space<hbm>>
        %dma_wait3A_96 = arith.constant 0 : i32
        %dma_wait3A_97 = tpu.memref_slice %arg2[%dma_wait3A_96, %mul3A_94] : memref<3x3200000xf32, #tpu.memory_space<hbm>> -> memref<3x5120xf32, #tpu.memory_space<hbm>>
        tpu.wait_dma2 semaphore(%arg12 : memref<!tpu.dma_semaphore, #tpu.memory_space<semaphore_mem>>) src(%dma_wait3A_97 : memref<3x5120xf32, #tpu.memory_space<hbm>>) dst(%arg6 : memref<3x5120xf32, #tpu.memory_space<vmem>>)
        %add3A_98 = arith.addi %add3A_8, %add3A_73 : i32
        %mul3A_99 = arith.constant 5120 : i32
        %mul3A_100 = arith.muli %add3A_98, %mul3A_99 : i32
        %dma_start3A = arith.constant 0 : i32
        %dma_start3A_101 = tpu.memref_slice %arg4[%dma_start3A, %mul3A_100] : memref<3x3200000xf32, #tpu.memory_space<hbm>> -> memref<3x5120xf32, #tpu.memory_space<hbm>>
        %dma_start3A_102 = arith.constant 0 : i32
        %dma_start3A_103 = tpu.memref_slice %arg4[%dma_start3A_102, %mul3A_100] : memref<3x3200000xf32, #tpu.memory_space<hbm>> -> memref<3x5120xf32, #tpu.memory_space<hbm>>
        tpu.enqueue_dma source(%arg6 : memref<3x5120xf32, #tpu.memory_space<vmem>>) target(%dma_start3A_103 : memref<3x5120xf32, #tpu.memory_space<hbm>>) target_semaphore(%arg15 : memref<!tpu.dma_semaphore, #tpu.memory_space<semaphore_mem>>)
        %ge3A = arith.constant 3 : i32
        %ge3A_104 = arith.cmpi sge, %add3A_73, %ge3A : i32
        %convert_element_type3A_105 = arith.extui %ge3A_104 : i1 to i32
        %cond3A_106 = arith.constant 0 : i32
        %cond3A_107 = arith.cmpi ne, %convert_element_type3A_105, %cond3A_106 : i32
        scf.if %cond3A_107 {
          %sub3A_115 = arith.constant 3 : i32
          %sub3A_116 = arith.subi %add3A_73, %sub3A_115 : i32
          %add3A_117 = arith.addi %add3A_8, %sub3A_116 : i32
          %mul3A_118 = arith.constant 5120 : i32
          %mul3A_119 = arith.muli %add3A_117, %mul3A_118 : i32
          %dma_wait3A_120 = tpu.memref_slice %arg3[%mul3A_119] : memref<3200000xf32, #tpu.memory_space<hbm>> -> memref<5120xf32, #tpu.memory_space<hbm>>
          %dma_wait3A_121 = tpu.memref_slice %arg3[%mul3A_119] : memref<3200000xf32, #tpu.memory_space<hbm>> -> memref<5120xf32, #tpu.memory_space<hbm>>
          tpu.wait_dma2 semaphore(%arg18 : memref<!tpu.dma_semaphore, #tpu.memory_space<semaphore_mem>>) src(%arg9 : memref<5120xf32, #tpu.memory_space<vmem>>) dst(%dma_wait3A_121 : memref<5120xf32, #tpu.memory_space<hbm>>)
        } else {
        }
        %parallel_loop3A = arith.constant 0 : i32
        %parallel_loop3A_108 = arith.constant 320 : i32
        %parallel_loop3A_109 = arith.constant 1 : i32
        scf.for %parallel_loop3A_115 = %parallel_loop3A to %parallel_loop3A_108 step %parallel_loop3A_109  : i32 {
          %parallel_loop3A_116 = arith.constant 16 : i32
          %parallel_loop3A_117 = arith.muli %parallel_loop3A_115, %parallel_loop3A_116 : i32
          %parallel_loop3A_118 = arith.constant 0 : i32
          %parallel_loop3A_119 = arith.index_cast %parallel_loop3A_118 : i32 to index
          %parallel_loop3A_120 = arith.index_cast %parallel_loop3A_117 : i32 to index
          %parallel_loop3A_121 = tpu.vector_load %arg6[%parallel_loop3A_119, %parallel_loop3A_120] {strides = array<i32>} : memref<3x5120xf32, #tpu.memory_space<vmem>>, vector<1x16xf32>,
          %parallel_loop3A_122 = vector.shape_cast %parallel_loop3A_121 : vector<1x16xf32> to vector<16xf32>
          %parallel_loop3A_123 = arith.constant 16 : i32
          %parallel_loop3A_124 = arith.muli %parallel_loop3A_115, %parallel_loop3A_123 : i32
          %parallel_loop3A_125 = arith.constant 1 : i32
          %parallel_loop3A_126 = arith.index_cast %parallel_loop3A_125 : i32 to index
          %parallel_loop3A_127 = arith.index_cast %parallel_loop3A_124 : i32 to index
          %parallel_loop3A_128 = tpu.vector_load %arg6[%parallel_loop3A_126, %parallel_loop3A_127] {strides = array<i32>} : memref<3x5120xf32, #tpu.memory_space<vmem>>, vector<1x16xf32>,
          %parallel_loop3A_129 = vector.shape_cast %parallel_loop3A_128 : vector<1x16xf32> to vector<16xf32>
          %parallel_loop3A_130 = arith.constant 16 : i32
          %parallel_loop3A_131 = arith.muli %parallel_loop3A_115, %parallel_loop3A_130 : i32
          %parallel_loop3A_132 = arith.constant 2 : i32
          %parallel_loop3A_133 = arith.index_cast %parallel_loop3A_132 : i32 to index
          %parallel_loop3A_134 = arith.index_cast %parallel_loop3A_131 : i32 to index
          %parallel_loop3A_135 = tpu.vector_load %arg6[%parallel_loop3A_133, %parallel_loop3A_134] {strides = array<i32>} : memref<3x5120xf32, #tpu.memory_space<vmem>>, vector<1x16xf32>,
          %parallel_loop3A_136 = vector.shape_cast %parallel_loop3A_135 : vector<1x16xf32> to vector<16xf32>
          %parallel_loop3A_137 = arith.mulf %parallel_loop3A_122, %parallel_loop3A_122 : vector<16xf32>
          %parallel_loop3A_138 = arith.mulf %parallel_loop3A_129, %parallel_loop3A_129 : vector<16xf32>
          %parallel_loop3A_139 = arith.addf %parallel_loop3A_137, %parallel_loop3A_138 : vector<16xf32>
          %parallel_loop3A_140 = arith.mulf %parallel_loop3A_136, %parallel_loop3A_136 : vector<16xf32>
          %parallel_loop3A_141 = arith.addf %parallel_loop3A_139, %parallel_loop3A_140 : vector<16xf32>
          %parallel_loop3A_142 = tpu.bitcast %parallel_loop3A_141 : vector<16xf32> -> vector<16xi32>
          %parallel_loop3A_143 = arith.constant 1 : i32
          %parallel_loop3A_144 = vector.broadcast %parallel_loop3A_143 : i32 to vector<16xi32>
          %parallel_loop3A_145 = arith.shrsi %parallel_loop3A_142, %parallel_loop3A_144 : vector<16xi32>
          %parallel_loop3A_146 = arith.constant 1597463007 : i32
          %parallel_loop3A_147 = vector.broadcast %parallel_loop3A_146 : i32 to vector<16xi32>
          %parallel_loop3A_148 = arith.subi %parallel_loop3A_147, %parallel_loop3A_145 : vector<16xi32>
          %parallel_loop3A_149 = tpu.bitcast %parallel_loop3A_148 : vector<16xi32> -> vector<16xf32>
          %parallel_loop3A_150 = arith.constant 5.000000e-01 : f32
          %parallel_loop3A_151 = vector.broadcast %parallel_loop3A_150 : f32 to vector<16xf32>
          %parallel_loop3A_152 = arith.mulf %parallel_loop3A_151, %parallel_loop3A_141 : vector<16xf32>
          %parallel_loop3A_153 = arith.mulf %parallel_loop3A_152, %parallel_loop3A_149 : vector<16xf32>
          %parallel_loop3A_154 = arith.mulf %parallel_loop3A_153, %parallel_loop3A_149 : vector<16xf32>
          %parallel_loop3A_155 = arith.constant 1.500000e+00 : f32
          %parallel_loop3A_156 = vector.broadcast %parallel_loop3A_155 : f32 to vector<16xf32>
          %parallel_loop3A_157 = arith.subf %parallel_loop3A_156, %parallel_loop3A_154 : vector<16xf32>
          %parallel_loop3A_158 = arith.mulf %parallel_loop3A_149, %parallel_loop3A_157 : vector<16xf32>
          %parallel_loop3A_159 = arith.constant 5.000000e-01 : f32
          %parallel_loop3A_160 = vector.broadcast %parallel_loop3A_159 : f32 to vector<16xf32>
          %parallel_loop3A_161 = arith.mulf %parallel_loop3A_160, %parallel_loop3A_141 : vector<16xf32>
          %parallel_loop3A_162 = arith.mulf %parallel_loop3A_161, %parallel_loop3A_158 : vector<16xf32>
          %parallel_loop3A_163 = arith.mulf %parallel_loop3A_162, %parallel_loop3A_158 : vector<16xf32>
          %parallel_loop3A_164 = arith.constant 1.500000e+00 : f32
          %parallel_loop3A_165 = vector.broadcast %parallel_loop3A_164 : f32 to vector<16xf32>
          %parallel_loop3A_166 = arith.subf %parallel_loop3A_165, %parallel_loop3A_163 : vector<16xf32>
          %parallel_loop3A_167 = arith.mulf %parallel_loop3A_158, %parallel_loop3A_166 : vector<16xf32>
          %parallel_loop3A_168 = arith.mulf %parallel_loop3A_141, %parallel_loop3A_167 : vector<16xf32>
          %parallel_loop3A_169 = arith.constant 16 : i32
          %parallel_loop3A_170 = arith.muli %parallel_loop3A_115, %parallel_loop3A_169 : i32
          %parallel_loop3A_171 = arith.index_cast %parallel_loop3A_170 : i32 to index
          %parallel_loop3A_172 = tpu.vector_load %arg9[%parallel_loop3A_171] {strides = array<i32>} : memref<5120xf32, #tpu.memory_space<vmem>>, vector<16xf32>,
          %parallel_loop3A_173 = vector.shape_cast %parallel_loop3A_172 : vector<16xf32> to vector<16xf32>
          %parallel_loop3A_174 = vector.shape_cast %parallel_loop3A_168 : vector<16xf32> to vector<16xf32>
          tpu.vector_store %arg9[%parallel_loop3A_171], %parallel_loop3A_174 {strides = array<i32>} : memref<5120xf32, #tpu.memory_space<vmem>>, vector<16xf32>,
        } {sc.loop_unroll_factor = 8 : i64, sc.parallel_access}
        %add3A_110 = arith.addi %add3A_8, %add3A_73 : i32
        %mul3A_111 = arith.constant 5120 : i32
        %mul3A_112 = arith.muli %add3A_110, %mul3A_111 : i32
        %dma_start3A_113 = tpu.memref_slice %arg3[%mul3A_112] : memref<3200000xf32, #tpu.memory_space<hbm>> -> memref<5120xf32, #tpu.memory_space<hbm>>
        %dma_start3A_114 = tpu.memref_slice %arg3[%mul3A_112] : memref<3200000xf32, #tpu.memory_space<hbm>> -> memref<5120xf32, #tpu.memory_space<hbm>>
        tpu.enqueue_dma source(%arg9 : memref<5120xf32, #tpu.memory_space<vmem>>) target(%dma_start3A_114 : memref<5120xf32, #tpu.memory_space<hbm>>) target_semaphore(%arg18 : memref<!tpu.dma_semaphore, #tpu.memory_space<semaphore_mem>>)
      } else {
      }
      %mul3A_78 = arith.constant 3 : i32
      %mul3A_79 = arith.muli %mul3A_78, %scan3A_61 : i32
      %add3A_80 = arith.constant 2 : i32
      %add3A_81 = arith.addi %mul3A_79, %add3A_80 : i32
      %lt3A_82 = arith.cmpi slt, %add3A_81, %add3A_4 : i32
      %convert_element_type3A_83 = arith.extui %lt3A_82 : i1 to i32
      %cond3A_84 = arith.constant 0 : i32
      %cond3A_85 = arith.cmpi ne, %convert_element_type3A_83, %cond3A_84 : i32
      scf.if %cond3A_85 {
        %add3A_86 = arith.constant 2 : i32
        %add3A_87 = arith.addi %add3A_81, %add3A_86 : i32
        %lt3A_88 = arith.cmpi slt, %add3A_87, %add3A_4 : i32
        %convert_element_type3A_89 = arith.extui %lt3A_88 : i1 to i32
        %cond3A_90 = arith.constant 0 : i32
        %cond3A_91 = arith.cmpi ne, %convert_element_type3A_89, %cond3A_90 : i32
        scf.if %cond3A_91 {
          %ge3A_115 = arith.constant 1 : i32
          %ge3A_116 = arith.cmpi sge, %add3A_81, %ge3A_115 : i32
          %convert_element_type3A_117 = arith.extui %ge3A_116 : i1 to i32
          %cond3A_118 = arith.constant 0 : i32
          %cond3A_119 = arith.cmpi ne, %convert_element_type3A_117, %cond3A_118 : i32
          scf.if %cond3A_119 {
            %sub3A_129 = arith.constant 1 : i32
            %sub3A_130 = arith.subi %add3A_81, %sub3A_129 : i32
            %add3A_131 = arith.addi %add3A_8, %sub3A_130 : i32
            %mul3A_132 = arith.constant 5120 : i32
            %mul3A_133 = arith.muli %add3A_131, %mul3A_132 : i32
            %dma_wait3A_134 = arith.constant 0 : i32
            %dma_wait3A_135 = tpu.memref_slice %arg4[%dma_wait3A_134, %mul3A_133] : memref<3x3200000xf32, #tpu.memory_space<hbm>> -> memref<3x5120xf32, #tpu.memory_space<hbm>>
            %dma_wait3A_136 = arith.constant 0 : i32
            %dma_wait3A_137 = tpu.memref_slice %arg4[%dma_wait3A_136, %mul3A_133] : memref<3x3200000xf32, #tpu.memory_space<hbm>> -> memref<3x5120xf32, #tpu.memory_space<hbm>>
            tpu.wait_dma2 semaphore(%arg15 : memref<!tpu.dma_semaphore, #tpu.memory_space<semaphore_mem>>) src(%arg6 : memref<3x5120xf32, #tpu.memory_space<vmem>>) dst(%dma_wait3A_137 : memref<3x5120xf32, #tpu.memory_space<hbm>>)
          } else {
          }
          %add3A_120 = arith.constant 2 : i32
          %add3A_121 = arith.addi %add3A_81, %add3A_120 : i32
          %add3A_122 = arith.addi %add3A_8, %add3A_121 : i32
          %mul3A_123 = arith.constant 5120 : i32
          %mul3A_124 = arith.muli %add3A_122, %mul3A_123 : i32
          %dma_start3A_125 = arith.constant 0 : i32
          %dma_start3A_126 = tpu.memref_slice %arg2[%dma_start3A_125, %mul3A_124] : memref<3x3200000xf32, #tpu.memory_space<hbm>> -> memref<3x5120xf32, #tpu.memory_space<hbm>>
          %dma_start3A_127 = arith.constant 0 : i32
          %dma_start3A_128 = tpu.memref_slice %arg2[%dma_start3A_127, %mul3A_124] : memref<3x3200000xf32, #tpu.memory_space<hbm>> -> memref<3x5120xf32, #tpu.memory_space<hbm>>
          tpu.enqueue_dma source(%dma_start3A_128 : memref<3x5120xf32, #tpu.memory_space<hbm>>) target(%arg6 : memref<3x5120xf32, #tpu.memory_space<vmem>>) target_semaphore(%arg12 : memref<!tpu.dma_semaphore, #tpu.memory_space<semaphore_mem>>)
        } else {
        }
        %add3A_92 = arith.addi %add3A_8, %add3A_81 : i32
        %mul3A_93 = arith.constant 5120 : i32
        %mul3A_94 = arith.muli %add3A_92, %mul3A_93 : i32
        %dma_wait3A = arith.constant 0 : i32
        %dma_wait3A_95 = tpu.memref_slice %arg2[%dma_wait3A, %mul3A_94] : memref<3x3200000xf32, #tpu.memory_space<hbm>> -> memref<3x5120xf32, #tpu.memory_space<hbm>>
        %dma_wait3A_96 = arith.constant 0 : i32
        %dma_wait3A_97 = tpu.memref_slice %arg2[%dma_wait3A_96, %mul3A_94] : memref<3x3200000xf32, #tpu.memory_space<hbm>> -> memref<3x5120xf32, #tpu.memory_space<hbm>>
        tpu.wait_dma2 semaphore(%arg13 : memref<!tpu.dma_semaphore, #tpu.memory_space<semaphore_mem>>) src(%dma_wait3A_97 : memref<3x5120xf32, #tpu.memory_space<hbm>>) dst(%arg7 : memref<3x5120xf32, #tpu.memory_space<vmem>>)
        %add3A_98 = arith.addi %add3A_8, %add3A_81 : i32
        %mul3A_99 = arith.constant 5120 : i32
        %mul3A_100 = arith.muli %add3A_98, %mul3A_99 : i32
        %dma_start3A = arith.constant 0 : i32
        %dma_start3A_101 = tpu.memref_slice %arg4[%dma_start3A, %mul3A_100] : memref<3x3200000xf32, #tpu.memory_space<hbm>> -> memref<3x5120xf32, #tpu.memory_space<hbm>>
        %dma_start3A_102 = arith.constant 0 : i32
        %dma_start3A_103 = tpu.memref_slice %arg4[%dma_start3A_102, %mul3A_100] : memref<3x3200000xf32, #tpu.memory_space<hbm>> -> memref<3x5120xf32, #tpu.memory_space<hbm>>
        tpu.enqueue_dma source(%arg7 : memref<3x5120xf32, #tpu.memory_space<vmem>>) target(%dma_start3A_103 : memref<3x5120xf32, #tpu.memory_space<hbm>>) target_semaphore(%arg16 : memref<!tpu.dma_semaphore, #tpu.memory_space<semaphore_mem>>)
        %ge3A = arith.constant 3 : i32
        %ge3A_104 = arith.cmpi sge, %add3A_81, %ge3A : i32
        %convert_element_type3A_105 = arith.extui %ge3A_104 : i1 to i32
        %cond3A_106 = arith.constant 0 : i32
        %cond3A_107 = arith.cmpi ne, %convert_element_type3A_105, %cond3A_106 : i32
        scf.if %cond3A_107 {
          %sub3A_115 = arith.constant 3 : i32
          %sub3A_116 = arith.subi %add3A_81, %sub3A_115 : i32
          %add3A_117 = arith.addi %add3A_8, %sub3A_116 : i32
          %mul3A_118 = arith.constant 5120 : i32
          %mul3A_119 = arith.muli %add3A_117, %mul3A_118 : i32
          %dma_wait3A_120 = tpu.memref_slice %arg3[%mul3A_119] : memref<3200000xf32, #tpu.memory_space<hbm>> -> memref<5120xf32, #tpu.memory_space<hbm>>
          %dma_wait3A_121 = tpu.memref_slice %arg3[%mul3A_119] : memref<3200000xf32, #tpu.memory_space<hbm>> -> memref<5120xf32, #tpu.memory_space<hbm>>
          tpu.wait_dma2 semaphore(%arg19 : memref<!tpu.dma_semaphore, #tpu.memory_space<semaphore_mem>>) src(%arg10 : memref<5120xf32, #tpu.memory_space<vmem>>) dst(%dma_wait3A_121 : memref<5120xf32, #tpu.memory_space<hbm>>)
        } else {
        }
        %parallel_loop3A = arith.constant 0 : i32
        %parallel_loop3A_108 = arith.constant 320 : i32
        %parallel_loop3A_109 = arith.constant 1 : i32
        scf.for %parallel_loop3A_115 = %parallel_loop3A to %parallel_loop3A_108 step %parallel_loop3A_109  : i32 {
          %parallel_loop3A_116 = arith.constant 16 : i32
          %parallel_loop3A_117 = arith.muli %parallel_loop3A_115, %parallel_loop3A_116 : i32
          %parallel_loop3A_118 = arith.constant 0 : i32
          %parallel_loop3A_119 = arith.index_cast %parallel_loop3A_118 : i32 to index
          %parallel_loop3A_120 = arith.index_cast %parallel_loop3A_117 : i32 to index
          %parallel_loop3A_121 = tpu.vector_load %arg7[%parallel_loop3A_119, %parallel_loop3A_120] {strides = array<i32>} : memref<3x5120xf32, #tpu.memory_space<vmem>>, vector<1x16xf32>,
          %parallel_loop3A_122 = vector.shape_cast %parallel_loop3A_121 : vector<1x16xf32> to vector<16xf32>
          %parallel_loop3A_123 = arith.constant 16 : i32
          %parallel_loop3A_124 = arith.muli %parallel_loop3A_115, %parallel_loop3A_123 : i32
          %parallel_loop3A_125 = arith.constant 1 : i32
          %parallel_loop3A_126 = arith.index_cast %parallel_loop3A_125 : i32 to index
          %parallel_loop3A_127 = arith.index_cast %parallel_loop3A_124 : i32 to index
          %parallel_loop3A_128 = tpu.vector_load %arg7[%parallel_loop3A_126, %parallel_loop3A_127] {strides = array<i32>} : memref<3x5120xf32, #tpu.memory_space<vmem>>, vector<1x16xf32>,
          %parallel_loop3A_129 = vector.shape_cast %parallel_loop3A_128 : vector<1x16xf32> to vector<16xf32>
          %parallel_loop3A_130 = arith.constant 16 : i32
          %parallel_loop3A_131 = arith.muli %parallel_loop3A_115, %parallel_loop3A_130 : i32
          %parallel_loop3A_132 = arith.constant 2 : i32
          %parallel_loop3A_133 = arith.index_cast %parallel_loop3A_132 : i32 to index
          %parallel_loop3A_134 = arith.index_cast %parallel_loop3A_131 : i32 to index
          %parallel_loop3A_135 = tpu.vector_load %arg7[%parallel_loop3A_133, %parallel_loop3A_134] {strides = array<i32>} : memref<3x5120xf32, #tpu.memory_space<vmem>>, vector<1x16xf32>,
          %parallel_loop3A_136 = vector.shape_cast %parallel_loop3A_135 : vector<1x16xf32> to vector<16xf32>
          %parallel_loop3A_137 = arith.mulf %parallel_loop3A_122, %parallel_loop3A_122 : vector<16xf32>
          %parallel_loop3A_138 = arith.mulf %parallel_loop3A_129, %parallel_loop3A_129 : vector<16xf32>
          %parallel_loop3A_139 = arith.addf %parallel_loop3A_137, %parallel_loop3A_138 : vector<16xf32>
          %parallel_loop3A_140 = arith.mulf %parallel_loop3A_136, %parallel_loop3A_136 : vector<16xf32>
          %parallel_loop3A_141 = arith.addf %parallel_loop3A_139, %parallel_loop3A_140 : vector<16xf32>
          %parallel_loop3A_142 = tpu.bitcast %parallel_loop3A_141 : vector<16xf32> -> vector<16xi32>
          %parallel_loop3A_143 = arith.constant 1 : i32
          %parallel_loop3A_144 = vector.broadcast %parallel_loop3A_143 : i32 to vector<16xi32>
          %parallel_loop3A_145 = arith.shrsi %parallel_loop3A_142, %parallel_loop3A_144 : vector<16xi32>
          %parallel_loop3A_146 = arith.constant 1597463007 : i32
          %parallel_loop3A_147 = vector.broadcast %parallel_loop3A_146 : i32 to vector<16xi32>
          %parallel_loop3A_148 = arith.subi %parallel_loop3A_147, %parallel_loop3A_145 : vector<16xi32>
          %parallel_loop3A_149 = tpu.bitcast %parallel_loop3A_148 : vector<16xi32> -> vector<16xf32>
          %parallel_loop3A_150 = arith.constant 5.000000e-01 : f32
          %parallel_loop3A_151 = vector.broadcast %parallel_loop3A_150 : f32 to vector<16xf32>
          %parallel_loop3A_152 = arith.mulf %parallel_loop3A_151, %parallel_loop3A_141 : vector<16xf32>
          %parallel_loop3A_153 = arith.mulf %parallel_loop3A_152, %parallel_loop3A_149 : vector<16xf32>
          %parallel_loop3A_154 = arith.mulf %parallel_loop3A_153, %parallel_loop3A_149 : vector<16xf32>
          %parallel_loop3A_155 = arith.constant 1.500000e+00 : f32
          %parallel_loop3A_156 = vector.broadcast %parallel_loop3A_155 : f32 to vector<16xf32>
          %parallel_loop3A_157 = arith.subf %parallel_loop3A_156, %parallel_loop3A_154 : vector<16xf32>
          %parallel_loop3A_158 = arith.mulf %parallel_loop3A_149, %parallel_loop3A_157 : vector<16xf32>
          %parallel_loop3A_159 = arith.constant 5.000000e-01 : f32
          %parallel_loop3A_160 = vector.broadcast %parallel_loop3A_159 : f32 to vector<16xf32>
          %parallel_loop3A_161 = arith.mulf %parallel_loop3A_160, %parallel_loop3A_141 : vector<16xf32>
          %parallel_loop3A_162 = arith.mulf %parallel_loop3A_161, %parallel_loop3A_158 : vector<16xf32>
          %parallel_loop3A_163 = arith.mulf %parallel_loop3A_162, %parallel_loop3A_158 : vector<16xf32>
          %parallel_loop3A_164 = arith.constant 1.500000e+00 : f32
          %parallel_loop3A_165 = vector.broadcast %parallel_loop3A_164 : f32 to vector<16xf32>
          %parallel_loop3A_166 = arith.subf %parallel_loop3A_165, %parallel_loop3A_163 : vector<16xf32>
          %parallel_loop3A_167 = arith.mulf %parallel_loop3A_158, %parallel_loop3A_166 : vector<16xf32>
          %parallel_loop3A_168 = arith.mulf %parallel_loop3A_141, %parallel_loop3A_167 : vector<16xf32>
          %parallel_loop3A_169 = arith.constant 16 : i32
          %parallel_loop3A_170 = arith.muli %parallel_loop3A_115, %parallel_loop3A_169 : i32
          %parallel_loop3A_171 = arith.index_cast %parallel_loop3A_170 : i32 to index
          %parallel_loop3A_172 = tpu.vector_load %arg10[%parallel_loop3A_171] {strides = array<i32>} : memref<5120xf32, #tpu.memory_space<vmem>>, vector<16xf32>,
          %parallel_loop3A_173 = vector.shape_cast %parallel_loop3A_172 : vector<16xf32> to vector<16xf32>
          %parallel_loop3A_174 = vector.shape_cast %parallel_loop3A_168 : vector<16xf32> to vector<16xf32>
          tpu.vector_store %arg10[%parallel_loop3A_171], %parallel_loop3A_174 {strides = array<i32>} : memref<5120xf32, #tpu.memory_space<vmem>>, vector<16xf32>,
        } {sc.loop_unroll_factor = 8 : i64, sc.parallel_access}
        %add3A_110 = arith.addi %add3A_8, %add3A_81 : i32
        %mul3A_111 = arith.constant 5120 : i32
        %mul3A_112 = arith.muli %add3A_110, %mul3A_111 : i32
        %dma_start3A_113 = tpu.memref_slice %arg3[%mul3A_112] : memref<3200000xf32, #tpu.memory_space<hbm>> -> memref<5120xf32, #tpu.memory_space<hbm>>
        %dma_start3A_114 = tpu.memref_slice %arg3[%mul3A_112] : memref<3200000xf32, #tpu.memory_space<hbm>> -> memref<5120xf32, #tpu.memory_space<hbm>>
        tpu.enqueue_dma source(%arg10 : memref<5120xf32, #tpu.memory_space<vmem>>) target(%dma_start3A_114 : memref<5120xf32, #tpu.memory_space<hbm>>) target_semaphore(%arg19 : memref<!tpu.dma_semaphore, #tpu.memory_space<semaphore_mem>>)
      } else {
      }
    }
    %scan3A_20 = arith.constant 7 : i32
    %sub3A = arith.constant 1 : i32
    %sub3A_21 = arith.subi %add3A_4, %sub3A : i32
    %sub3A_22 = arith.constant 1 : i32
    %sub3A_23 = arith.subi %add3A_4, %sub3A_22 : i32
    %sub3A_24 = arith.constant 0 : i32
    %sub3A_25 = arith.subi %sub3A_23, %sub3A_24 : i32
    %rem3A = arith.constant 3 : i32
    %rem3A_26 = arith.remsi %sub3A_25, %rem3A : i32
    %sub3A_27 = arith.subi %sub3A_21, %rem3A_26 : i32
    %gt3A_28 = arith.constant 0 : i32
    %gt3A_29 = arith.cmpi sgt, %add3A_4, %gt3A_28 : i32
    %convert_element_type3A_30 = arith.extui %gt3A_29 : i1 to i32
    %cond3A_31 = arith.constant 0 : i32
    %cond3A_32 = arith.cmpi ne, %convert_element_type3A_30, %cond3A_31 : i32
    scf.if %cond3A_32 {
      %add3A_61 = arith.addi %add3A_8, %sub3A_27 : i32
      %mul3A_62 = arith.constant 5120 : i32
      %mul3A_63 = arith.muli %add3A_61, %mul3A_62 : i32
      %dma_wait3A = tpu.memref_slice %arg3[%mul3A_63] : memref<3200000xf32, #tpu.memory_space<hbm>> -> memref<5120xf32, #tpu.memory_space<hbm>>
      %dma_wait3A_64 = tpu.memref_slice %arg3[%mul3A_63] : memref<3200000xf32, #tpu.memory_space<hbm>> -> memref<5120xf32, #tpu.memory_space<hbm>>
      tpu.wait_dma2 semaphore(%arg17 : memref<!tpu.dma_semaphore, #tpu.memory_space<semaphore_mem>>) src(%arg8 : memref<5120xf32, #tpu.memory_space<vmem>>) dst(%dma_wait3A_64 : memref<5120xf32, #tpu.memory_space<hbm>>)
      %add3A_65 = arith.addi %add3A_8, %sub3A_27 : i32
      %mul3A_66 = arith.constant 5120 : i32
      %mul3A_67 = arith.muli %add3A_65, %mul3A_66 : i32
      %dma_wait3A_68 = arith.constant 0 : i32
      %dma_wait3A_69 = tpu.memref_slice %arg4[%dma_wait3A_68, %mul3A_67] : memref<3x3200000xf32, #tpu.memory_space<hbm>> -> memref<3x5120xf32, #tpu.memory_space<hbm>>
      %dma_wait3A_70 = arith.constant 0 : i32
      %dma_wait3A_71 = tpu.memref_slice %arg4[%dma_wait3A_70, %mul3A_67] : memref<3x3200000xf32, #tpu.memory_space<hbm>> -> memref<3x5120xf32, #tpu.memory_space<hbm>>
      tpu.wait_dma2 semaphore(%arg14 : memref<!tpu.dma_semaphore, #tpu.memory_space<semaphore_mem>>) src(%arg5 : memref<3x5120xf32, #tpu.memory_space<vmem>>) dst(%dma_wait3A_71 : memref<3x5120xf32, #tpu.memory_space<hbm>>)
    } else {
    }
    %sub3A_33 = arith.constant 1 : i32
    %sub3A_34 = arith.subi %add3A_4, %sub3A_33 : i32
    %sub3A_35 = arith.constant 1 : i32
    %sub3A_36 = arith.subi %add3A_4, %sub3A_35 : i32
    %sub3A_37 = arith.constant 1 : i32
    %sub3A_38 = arith.subi %sub3A_36, %sub3A_37 : i32
    %rem3A_39 = arith.constant 3 : i32
    %rem3A_40 = arith.remsi %sub3A_38, %rem3A_39 : i32
    %sub3A_41 = arith.subi %sub3A_34, %rem3A_40 : i32
    %gt3A_42 = arith.constant 1 : i32
    %gt3A_43 = arith.cmpi sgt, %add3A_4, %gt3A_42 : i32
    %convert_element_type3A_44 = arith.extui %gt3A_43 : i1 to i32
    %cond3A_45 = arith.constant 0 : i32
    %cond3A_46 = arith.cmpi ne, %convert_element_type3A_44, %cond3A_45 : i32
    scf.if %cond3A_46 {
      %add3A_61 = arith.addi %add3A_8, %sub3A_41 : i32
      %mul3A_62 = arith.constant 5120 : i32
      %mul3A_63 = arith.muli %add3A_61, %mul3A_62 : i32
      %dma_wait3A = tpu.memref_slice %arg3[%mul3A_63] : memref<3200000xf32, #tpu.memory_space<hbm>> -> memref<5120xf32, #tpu.memory_space<hbm>>
      %dma_wait3A_64 = tpu.memref_slice %arg3[%mul3A_63] : memref<3200000xf32, #tpu.memory_space<hbm>> -> memref<5120xf32, #tpu.memory_space<hbm>>
      tpu.wait_dma2 semaphore(%arg18 : memref<!tpu.dma_semaphore, #tpu.memory_space<semaphore_mem>>) src(%arg9 : memref<5120xf32, #tpu.memory_space<vmem>>) dst(%dma_wait3A_64 : memref<5120xf32, #tpu.memory_space<hbm>>)
      %add3A_65 = arith.addi %add3A_8, %sub3A_41 : i32
      %mul3A_66 = arith.constant 5120 : i32
      %mul3A_67 = arith.muli %add3A_65, %mul3A_66 : i32
      %dma_wait3A_68 = arith.constant 0 : i32
      %dma_wait3A_69 = tpu.memref_slice %arg4[%dma_wait3A_68, %mul3A_67] : memref<3x3200000xf32, #tpu.memory_space<hbm>> -> memref<3x5120xf32, #tpu.memory_space<hbm>>
      %dma_wait3A_70 = arith.constant 0 : i32
      %dma_wait3A_71 = tpu.memref_slice %arg4[%dma_wait3A_70, %mul3A_67] : memref<3x3200000xf32, #tpu.memory_space<hbm>> -> memref<3x5120xf32, #tpu.memory_space<hbm>>
      tpu.wait_dma2 semaphore(%arg15 : memref<!tpu.dma_semaphore, #tpu.memory_space<semaphore_mem>>) src(%arg6 : memref<3x5120xf32, #tpu.memory_space<vmem>>) dst(%dma_wait3A_71 : memref<3x5120xf32, #tpu.memory_space<hbm>>)
    } else {
    }
    %sub3A_47 = arith.constant 1 : i32
    %sub3A_48 = arith.subi %add3A_4, %sub3A_47 : i32
    %sub3A_49 = arith.constant 1 : i32
    %sub3A_50 = arith.subi %add3A_4, %sub3A_49 : i32
    %sub3A_51 = arith.constant 2 : i32
    %sub3A_52 = arith.subi %sub3A_50, %sub3A_51 : i32
    %rem3A_53 = arith.constant 3 : i32
    %rem3A_54 = arith.remsi %sub3A_52, %rem3A_53 : i32
    %sub3A_55 = arith.subi %sub3A_48, %rem3A_54 : i32
    %gt3A_56 = arith.constant 2 : i32
    %gt3A_57 = arith.cmpi sgt, %add3A_4, %gt3A_56 : i32
    %convert_element_type3A_58 = arith.extui %gt3A_57 : i1 to i32
    %cond3A_59 = arith.constant 0 : i32
    %cond3A_60 = arith.cmpi ne, %convert_element_type3A_58, %cond3A_59 : i32
    scf.if %cond3A_60 {
      %add3A_61 = arith.addi %add3A_8, %sub3A_55 : i32
      %mul3A_62 = arith.constant 5120 : i32
      %mul3A_63 = arith.muli %add3A_61, %mul3A_62 : i32
      %dma_wait3A = tpu.memref_slice %arg3[%mul3A_63] : memref<3200000xf32, #tpu.memory_space<hbm>> -> memref<5120xf32, #tpu.memory_space<hbm>>
      %dma_wait3A_64 = tpu.memref_slice %arg3[%mul3A_63] : memref<3200000xf32, #tpu.memory_space<hbm>> -> memref<5120xf32, #tpu.memory_space<hbm>>
      tpu.wait_dma2 semaphore(%arg19 : memref<!tpu.dma_semaphore, #tpu.memory_space<semaphore_mem>>) src(%arg10 : memref<5120xf32, #tpu.memory_space<vmem>>) dst(%dma_wait3A_64 : memref<5120xf32, #tpu.memory_space<hbm>>)
      %add3A_65 = arith.addi %add3A_8, %sub3A_55 : i32
      %mul3A_66 = arith.constant 5120 : i32
      %mul3A_67 = arith.muli %add3A_65, %mul3A_66 : i32
      %dma_wait3A_68 = arith.constant 0 : i32
      %dma_wait3A_69 = tpu.memref_slice %arg4[%dma_wait3A_68, %mul3A_67] : memref<3x3200000xf32, #tpu.memory_space<hbm>> -> memref<3x5120xf32, #tpu.memory_space<hbm>>
      %dma_wait3A_70 = arith.constant 0 : i32
      %dma_wait3A_71 = tpu.memref_slice %arg4[%dma_wait3A_70, %mul3A_67] : memref<3x3200000xf32, #tpu.memory_space<hbm>> -> memref<3x5120xf32, #tpu.memory_space<hbm>>
      tpu.wait_dma2 semaphore(%arg16 : memref<!tpu.dma_semaphore, #tpu.memory_space<semaphore_mem>>) src(%arg7 : memref<3x5120xf32, #tpu.memory_space<vmem>>) dst(%dma_wait3A_71 : memref<3x5120xf32, #tpu.memory_space<hbm>>)
    } else {
    }
    return
  }
}

</mosaic_0001>

<sc_bundles>
// kernel: kernel.3.cloned.1.call-start
scs
__scs_entry_jumppad:
0x0: {  	(pc) =	sbr.rel $0x88, $3  }
0x1: {  	(tag) =	ssettag $0x0;
	lr =	simm.s32 $0x1  }
0x2: {  	[smem:$0x3F9F] =	sst lr;
	_ =	strace $0xD0000000  }
0x3: {  	_ = 	snop  }
0x4: {  	_ = 	snop  }
0x5: {  	_ = 	snop  }
0x6: {  	_ = 	snop  }
0x7: {  	_ = 	snop  }
__scs_overlays_trampoline_lowered:
0x8: {  	[smem:$0x3FAE] =	sst s0  }
0x9: {  	[smem:$0x3FAF] =	sst s1  }
0xa: {  	[smem:$0x3FB0] =	sst s2  }
0xb: {  	[smem:$0x3FB1] =	sst s3  }
0xc: {  	[smem:$0x3FB2] =	sst s4  }
0xd: {  	[smem:$0x3FB3] =	sst s5  }
0xe: {  	[smem:$0x3FB4] =	sst s6  }
0xf: {  	[smem:$0x3FB5] =	sst s7  }
0x10: {  	[smem:$0x3FB6] =	sst s8  }
0x11: {  	[smem:$0x3FB7] =	sst s9;
	s0 =	simm.s32 @!p0 $0x0  }
0x12: {  	s1 =	sld [smem:$0x3F9D];
	s0 =	simm.s32 @p0 $0x1  }
0x13: {  	[smem:$0x3FB8] =	sst s0;
	s0 =	simm.s32 @!p1 $0x0  }
0x14: {  	s2 =	sld [smem:$0x3F9C];
	s0 =	simm.s32 @p1 $0x1  }
0x15: {  	[smem:$0x3FB9] =	sst s0;
	s0 =	simm.s32 @!p2 $0x0  }
0x16: {  	s3 =	sld [smem:$0x3FDB];
	s0 =	simm.s32 @p2 $0x1  }
0x17: {  	s4 =	simm.s32 $0x1BF5;
	[smem:$0x3FBB] =	sst s0  }
0x18: {  	s0 =	sld [smem:$0x3F9E];
	_ =	swait.ge [sflag:s4], $0x0  }
0x19: {  	s7 =	sld [smem:$0x3F9F]  }
0x1a: {  	s8 =	sadd.s32 $0xFFFFE003, lr  }
0x1b: {  	s9 =	sadd.s32 $0xFFFFFEF7, lr;
	s5 =	simm.s32 $0xFFFFFFFF;
	p2 =	slt.u32 s8, $0xFFFFF086  }
0x1c: {  	p1 =	slt.u32 s9, $0xF7A;
	s5 =	simm.s32 @!p2 $0x0  }
0x1d: {  	s5 =	simm.s32 @p1 $0x1;
	p0 =	seq.s32 s7, s2  }
0x1e: {  	s7 =	smul.u32 @!p0 $0xF7A, s2;
	p2 =	seq.s32 @!p0 s5, $0x0  }
0x1f: {  	s9 =	smul.u32 $0xF7A, s1;
	s8 =	simm.s32 @!p0 $0x1BF5;
	p2 =	por !p2, p0  }
0x20: {  	[sflag:s8] =	ssyncset.s32 @!p0 $0xFFFFF086;
	s6 =	sadd.s32 @!p0 s3, s7;
	s7 =	simm.s32 @!p0 $0x108  }
0x21: {  	s3 =	sadd.s32 s3, s9;
	s6 =	sadd.s32 @!p0 $0x88, s6;
	s7 =	simm.s32 @p2 $0x1082  }
0x22: {  	[simem:s7], [sflag:s8] =	dma.local @!p0 [hbm:s6], $0xF7A  }
0x23: {  	s9 =	sor.u32 $0xD0000000, s2;
	s6 =	simm.s32 $0x108;
	_ =	swait.ge @!p0 [sflag:s8], $0x0  }
0x24: {  	s3 =	sadd.s32 $0x88, s3;
	s6 =	simm.s32 @!p1 $0x1082;
	[sflag:s4] =	ssyncset.s32 $0xFFFFF086  }
0x25: {  	[simem:s6], [sflag:s4] =	dma.local [hbm:s3], $0xF7A  }
0x26: {  	[smem:$0x3F9F] =	sst s1;
	(tag) =	ssettag s2;
	_ =	strace s9  }
0x27: {  	s1 =	sld [smem:$0x3FAF]  }
0x28: {  	s2 =	sld [smem:$0x3FB0]  }
0x29: {  	s4 =	sld [smem:$0x3FB2]  }
0x2a: {  	p0 =	seq.s32 s5, $0x0;
	s5 =	sld [smem:$0x3FB3]  }
0x2b: {  	s6 =	sld [smem:$0x3FB4]  }
0x2c: {  	s7 =	sld [smem:$0x3FB5]  }
0x2d: {  	s3 =	simm.s32 $0x108;
	s8 =	sld [smem:$0x3FB6]  }
0x2e: {  	s3 =	simm.s32 @!p0 $0x1082;
	s9 =	sld [smem:$0x3FB7]  }
0x2f: {  	lr =	sadd.s32 s0, s3;
	s0 =	sld [smem:$0x3FAE]  }
0x30: {  	s3 =	sld [smem:$0x3FB1]  }
0x31: {  	[smem:$0x3FBA] =	sst s10  }
0x32: {  	s10 =	sld [smem:$0x3FB8];
	_ =	sdelay $0x3  }
0x33: {  	p0 =	seq.s32 s10, $0x1;
	s10 =	sld [smem:$0x3FBA];
	_ =	sdelay $0x3  }
0x34: {  	[smem:$0x3FBA] =	sst s10  }
0x35: {  	s10 =	sld [smem:$0x3FB9];
	_ =	sdelay $0x3  }
0x36: {  	p1 =	seq.s32 s10, $0x1;
	s10 =	sld [smem:$0x3FBA];
	_ =	sdelay $0x3  }
0x37: {  	[smem:$0x3FBA] =	sst s10  }
0x38: {  	s10 =	sld [smem:$0x3FBB]  }
0x39: {  	_ = 	snop;
	(pc) =	sbr.ind lr, $3  }
0x3a: {  	_ = 	snop  }
0x3b: {  	_ = 	snop  }
0x3c: {  	p2 =	seq.s32 s10, $0x1;
	s10 =	sld [smem:$0x3FBA]  }
0x3d: {  	_ =	shalt  }
0x3e: {  	_ =	shalt  }
0x3f: {  	_ =	shalt  }
0x40: {  	_ =	shalt  }
0x41: {  	_ =	shalt  }
0x42: {  	_ =	shalt  }
0x43: {  	_ =	shalt  }
0x44: {  	_ =	shalt  }
0x45: {  	_ =	shalt  }
0x46: {  	_ =	shalt  }
0x47: {  	_ =	shalt  }
0x48: {  	_ =	shalt  }
0x49: {  	_ =	shalt  }
0x4a: {  	_ =	shalt  }
0x4b: {  	_ =	shalt  }
0x4c: {  	_ =	shalt  }
0x4d: {  	_ =	shalt  }
0x4e: {  	_ =	shalt  }
0x4f: {  	_ =	shalt  }
0x50: {  	_ =	shalt  }
0x51: {  	_ =	shalt  }
0x52: {  	_ =	shalt  }
0x53: {  	_ =	shalt  }
0x54: {  	_ =	shalt  }
0x55: {  	_ =	shalt  }
0x56: {  	_ =	shalt  }
0x57: {  	_ =	shalt  }
0x58: {  	_ =	shalt  }
0x59: {  	_ =	shalt  }
0x5a: {  	_ =	shalt  }
0x5b: {  	_ =	shalt  }
0x5c: {  	_ =	shalt  }
0x5d: {  	_ =	shalt  }
0x5e: {  	_ =	shalt  }
0x5f: {  	_ =	shalt  }
0x60: {  	_ =	shalt  }
0x61: {  	_ =	shalt  }
0x62: {  	_ =	shalt  }
0x63: {  	_ =	shalt  }
0x64: {  	_ =	shalt  }
0x65: {  	_ =	shalt  }
0x66: {  	_ =	shalt  }
0x67: {  	_ =	shalt  }
0x68: {  	_ =	shalt  }
0x69: {  	_ =	shalt  }
0x6a: {  	_ =	shalt  }
0x6b: {  	_ =	shalt  }
0x6c: {  	_ =	shalt  }
0x6d: {  	_ =	shalt  }
0x6e: {  	_ =	shalt  }
0x6f: {  	_ =	shalt  }
0x70: {  	_ =	shalt  }
0x71: {  	_ =	shalt  }
0x72: {  	_ =	shalt  }
0x73: {  	_ =	shalt  }
0x74: {  	_ =	shalt  }
0x75: {  	_ =	shalt  }
0x76: {  	_ =	shalt  }
0x77: {  	_ =	shalt  }
0x78: {  	_ =	shalt  }
0x79: {  	_ =	shalt  }
0x7a: {  	_ =	shalt  }
0x7b: {  	_ =	shalt  }
0x7c: {  	_ =	shalt  }
0x7d: {  	_ =	shalt  }
0x7e: {  	_ =	shalt  }
0x7f: {  	_ =	shalt  }
0x80: {  	_ =	shalt  }
0x81: {  	_ =	shalt  }
0x82: {  	_ =	shalt  }
0x83: {  	_ =	shalt  }
0x84: {  	_ =	shalt  }
0x85: {  	_ =	shalt  }
0x86: {  	_ =	shalt  }
0x87: {  	_ =	shalt  }
.Lfunc_end0:
.L_simem_size_0:
called_computation_lowered:
.L_overlay_start_0:
0x88: {  	s2 =	sld [smem:$0x3FD9]  }
0x89: {  	s3 =	sld [smem:$0x3FFE];
	_ =	sdelay $0x1  }
0x8a: {  	s1 =	srdreg.scid  }
0x8b: {  	s0 =	sand.u32 $0x1, s1  }
0x8c: {  	s15 =	sshll.u32 s0, $0xA;
	s2 =	sadd.s32 s3, s2  }
0x8d: {  	s2 =	sadd.s32 s2, s15  }
0x8e: {  	[smem:$0x3FC6] =	sst s2  }
0x8f: {  	_ = 	snop  }
0x90: {  	s2 =	sld [smem:$0x3FD0];
	_ =	sdelay $0x2  }
0x91: {  	s4 =	simm.s32 $0xA;
	s5 =	simm.s32 $0x10;
	s16 =	sld [smem:$0x3FC8]  }
0x92: {  	[smem:s5], [sflag:s4] =	dma.local [hbm:s2], $0x1  }
0x93: {  	_ =	swait.eq [sflag:s4], $0x1  }
0x94: {  	[sflag:s4] =	ssyncset.done $0x0  }
0x95: {  	s17 =	sld [smem:$0x11];
	[sflag:s4] =	ssyncadd.s32 $0xFFFFFFFF  }
0x96: {  	s18 =	sld [smem:$0x12];
	(tm) =	ssettm $0x1  }
0x97: {  	s19 =	sld [smem:$0x3FFB];
	_ =	sdelay $0x3  }
0x98: {  	_ =	strace s19  }
0x99: {  	s5 =	sld [smem:$0x3FFC];
	_ =	sdelay $0x3  }
0x9a: {  	_ =	strace s5  }
0x9b: {  	s5 =	sld [smem:$0x3FFD];
	_ =	sdelay $0x3  }
0x9c: {  	_ =	strace s5  }
0x9d: {  	_ =	strace $0x8FFFFFFF  }
0x9e: {  	s20 =	sld [smem:$0x3FDB];
	_ =	sdelay $0x1  }
0x9f: {  	s6 =	simm.s32 $_scs_section_size  }
0xa0: {  	s7 =	simm.s32 $_size__tile_overlayer_lowered;
	s8 =	simm.s32 $_tile_overlayer_lowered  }
0xa1: {  	s23 =	simm.s32 $0x1BFF;
	s22 =	sshll.u32 s8, $0x1;
	s5 =	sadd.s32 s6, s20  }
0xa2: {  	s9 =	simm.s32 $0x0;
	s21 =	sshll.u32 s7, $0x1;
	s7 =	sadd.s32 s22, s5  }
0xa3: {  	[timem:s9], [sflag:s23] =	dma.local [hbm:s7], s21  }
0xa4: {  	_ =	swait.ge [sflag:s23], s21  }
0xa5: {  	s6 =	ssub.s32 $0x0, s21;
	[sflag:s23] =	ssyncset.done $0x0  }
0xa6: {  	[sflag:s23] =	ssyncadd.s32 s6;
	_ =	sdelay $0x1  }
0xa7: {  	s24 =	simm.s32 $0x1B8B  }
0xa8: {  	_ =	swait.ge [sflag:s24], $0x1  }
0xa9: {  	[sflag:s24] =	ssyncset.done $0x0  }
0xaa: {  	s25 =	simm.s32 $0x1B8E;
	[sflag:s24] =	ssyncadd.s32 $0xFFFFFFFF  }
0xab: {  	s26 =	simm.s32 $execute0_lowered;
	[smem:$0x3FD2] =	sst s25  }
0xac: {  	s6 =	sshll.u32 s26, $0x1;
	_ =	strace $0x80000046;
	[dreg:$0x1] =	wrdreg $0xFFFFFFFF  }
0xad: {  	s28 =	simm.s32 $_size_execute0_lowered;
	s5 =	sadd.s32 s5, s6;
	[dreg:$0x0] =	wrdreg $0x0  }
0xae: {  	s6 =	sshll.u32 s28, $0x1;
	[dreg:$0x2] =	wrdreg s5  }
0xaf: {  	[dreg:$0x3] =	wrdreg s6  }
0xb0: {  	[dreg:$0x4] =	wrdreg $0xC0  }
0xb1: {  	_ =	task [dreg:s9], $0x5FFFF  }
0xb2: {  	[dreg:$0x1] =	wrdreg $0xFFFFFFFF  }
0xb3: {  	[dreg:$0x0] =	wrdreg $0x60  }
0xb4: {  	[dreg:$0x2] =	wrdreg s16  }
0xb5: {  	[dreg:$0x3] =	wrdreg s17  }
0xb6: {  	[dreg:$0x4] =	wrdreg s18  }
0xb7: {  	[dreg:$0x5] =	wrdreg $0x9  }
0xb8: {  	_ =	task.clear_ibuf [dreg:s9], $0x6FFFF;
	_ =	strace $0x90000046  }
0xb9: {  	s29 =	simm.s32 $0x9;
	_ =	strace $0x80000048  }
0xba: {  	_ =	swait.ge [sflag:s29], $0x1  }
0xbb: {  	[sflag:s29] =	ssyncadd.s32 $0xFFFFFFFF  }
0xbc: {  	_ =	strace $0x90000048  }
0xbd: {  	_ =	sfence  }
0xbe: {  	s30 =	sld [smem:$0x0];
	_ =	sdelay $0x2  }
0xbf: {  	s31 =	sshll.u32 s1, $0xD;
	s1 =	sshrl.u32 s1, $0x2  }
0xc0: {  	s3 =	sand.u32 $0x4000, s31;
	s1 =	sadd.s32 s1, s30  }
0xc1: {  	s0 =	sor.u32 s3, s0;
	s1 =	sshll.u32 s1, $0x11  }
0xc2: {  	s0 =	sor.u32 s1, s0  }
0xc3: {  	s0 =	sadd.s32 $0x8F2B, s0  }
0xc4: {  	[sflag:s0] =	ssyncadd.remote.s32 $0x1  }
0xc5: {  	_ =	sfence.sel $0xFFFF  }
0xc6: {  	[dreg:$0x0] =	wrdreg $0xFFFFFFFF;
	(pc) =	sbr.abs _section_cstart, $3  }
0xc7: {  	[dreg:$0x1] =	wrdreg $0xFFFFFFFF  }
0xc8: {  	_ =	task.clear_ibuf [dreg:s9], $0x2FFFF;
	_ =	strace $0x9FFFFFFF  }
0xc9: {  	(tm) =	ssettm $0x7FFFFFFF  }
tec
execute0_lowered:
.L_overlay_start_1:
0x0: {  	(tag) =	ssettag $0x1  }
0x1: {  	s2 =	rddreg [dreg:$0x0]  }
0x2: {  	s0 =	srdreg.scid;
	s3 =	rddreg [dreg:$0x1]  }
0x3: {  	s1 =	stileid.u32;
	s4 =	rddreg [dreg:$0x2];
	s5 =	simm.s32 $0x0  }
0x4: {  	s11 =	simm.s32 $0x5000;
	s12 =	simm.s32 $0x1;
	s13 =	simm.s32 $0xF000  }
0x5: {  	s14 =	simm.s32 $0x2;
	s0 =	sand.u32 $0x1, s0;
	s1 =	sshll.u32 s1, $0x1  }
0x6: {  	s15 =	simm.s32 $0x10400;
	s16 =	simm.s32 $0x3;
	s1 =	sor.u32 s0, s1  }
0x7: {  	s17 =	simm.s32 $0xA000;
	s18 =	simm.s32 $0x11800;
	s6 =	smul.u32 $0x13, s1  }
0x8: {  	s19 =	simm.s32 $0x7;
	s20 =	simm.s32 $0x4;
	s7 =	smin.u32 s1, $0x11  }
0x9: {  	s21 =	simm.s32 $0x8;
	s22 =	simm.s32 $0x5;
	s6 =	sadd.s32 s7, s6  }
0xa: {  	s23 =	simm.s32 $0x9;
	s24 =	simm.s32 $0x6;
	s8 =	smul.u32 $0x5000, s6  }
0xb: {  	s25 =	simm.s32 $0x0;
	[smem:$0x7FF] =	sst s5;
	s30 =	smul.u32 $0xA00, s6  }
.Ltmp0:
0xc: {  	s0 =	ssub.s32 $0x2, s0;
	_ =	strace $0x80000047;
	(pc) =	sbr.rel .LBB2_1-.Ltmp0, $4  }
0xd: {  	s9 =	sshrl.u32 s0, $0x1;
	p0 =	slt.u32 s1, $0x11;
	s8 =	sshrl.u32 s8, $0x3  }
0xe: {  	s0 =	ssub.s32 s0, s9;
	s1 =	sadd.s32 s2, s30;
	s8 =	sadd.s32 s2, s8  }
0xf: {  	s7 =	simm.s32 $0x14;
	[dreg:$0x4] =	wrdreg s1;
	s31 =	sadd.s32 $0xA00, s8  }
0x10: {  	s10 =	smax.u32 s0, $0x1;
	s7 =	simm.s32 @!p0 $0x13;
	[dreg:$0x5] =	wrdreg s31  }
.LBB2_15:
0x11: {  	_ =	swait.ge [sflag:s19], $0x1400  }
0x12: {  	[sflag:s19] =	ssyncset.done $0x0  }
0x13: {  	[sflag:s19] =	ssyncadd.s32 $0xFFFFEC00  }
0x14: {  	_ =	swait.ge [sflag:s20], $0x5000  }
0x15: {  	[sflag:s20] =	ssyncset.done $0x0  }
0x16: {  	[sflag:s20] =	ssyncadd.s32 $0xFFFFB000  }
0x17: {  	_ =	swait.ge [sflag:s21], $0x1400  }
0x18: {  	[sflag:s21] =	ssyncset.done $0x0  }
0x19: {  	[sflag:s21] =	ssyncadd.s32 $0xFFFFEC00  }
0x1a: {  	_ =	swait.ge [sflag:s22], $0x5000  }
0x1b: {  	[sflag:s22] =	ssyncset.done $0x0  }
0x1c: {  	s25 =	sadd.s32 $0x1, s25;
	[sflag:s22] =	ssyncadd.s32 $0xFFFFB000  }
0x1d: {  	p0 =	sne.s32 s25, s10;
	_ =	swait.ge [sflag:s23], $0x1400  }
.Ltmp1:
0x1e: {  	[sflag:s23] =	ssyncset.done $0x0;
	(pc) =	sbr.rel @!p0 .LBB2_16-.Ltmp1, $4  }
0x1f: {  	[sflag:s23] =	ssyncadd.s32 $0xFFFFEC00  }
0x20: {  	_ =	swait.ge [sflag:s24], $0x5000  }
0x21: {  	[sflag:s24] =	ssyncset.done $0x0  }
0x22: {  	[sflag:s24] =	ssyncadd.s32 $0xFFFFB000  }
.LBB2_1:
.Ltmp2:
0x23: {  	(pc) =	sbr.rel .LBB2_2-.Ltmp2, $4  }
0x24: {  	s0 =	rddreg [dreg:$0x4]  }
0x25: {  	[tilespmem:s5], [sflag:$0x1] =	stream.linear.gather [hbm4b:s0+s5], $0x5000, $0x38;
	[tilespmem:$0x12C00] =	vst v63  }
0x26: {  	s31 =	rddreg [dreg:$0x5];
	s26 =	simm.s32 $0x0  }
0x27: {  	[tilespmem:s11], [sflag:$0x2] =	stream.linear.gather [hbm4b:s31+s5], $0x5000, $0x38;
	[tilespmem:$0x12C00] =	vst v63  }
.LBB2_14:
0x28: {  	s26 =	sadd.s32 $0x1, s26  }
0x29: {  	p0 =	sne.s32 s26, $0x7  }
.Ltmp3:
0x2a: {  	_ = 	snop;
	(pc) =	sbr.rel @!p0 .LBB2_15-.Ltmp3, $1  }
0x2b: {  	_ =	sdelay $0x3  }
.LBB2_2:
0x2c: {  	s29 =	smul.u32 $0x3, s26;
	_ =	sdelay $0x1  }
0x2d: {  	p1 =	sge.u32 s29, s7  }
.Ltmp4:
0x2e: {  	_ = 	snop;
	(pc) =	sbr.rel @p1 .LBB2_6-.Ltmp4, $3  }
0x2f: {  	_ =	sdelay $0x1  }
0x30: {  	s28 =	sadd.s32 $0x2, s29  }
0x31: {  	p0 =	sge.u32 s28, s7  }
0x32: {  	p1 =	seq.s32 @!p0 s26, $0x0  }
0x33: {  	p1 =	por p1, p0  }
0x34: {  	s1 =	sadd.s32 @!p0 s6, s28;
	s0 =	simm.s32 @!p1 $0x6  }
0x35: {  	s1 =	smul.u32 @!p0 $0xA00, s1;
	_ =	swait.ge @!p1 [sflag:s0], $0x5000  }
0x36: {  	s8 =	simm.s32 @!p0 $0xA000;
	s30 =	sadd.s32 s6, s29;
	[sflag:s0] =	ssyncset.done @!p1 $0x0  }
0x37: {  	[sflag:s0] =	ssyncadd.s32 @!p1 $0xFFFFB000;
	s0 =	sadd.s32 @!p0 s2, s1;
	s1 =	simm.s32 @!p0 $0x0  }
0x38: {  	[tilespmem:s8], [sflag:$0x3] =	stream.linear.gather @!p0 [hbm4b:s0+s1], $0x5000, $0x38;
	[tilespmem:$0x12C00] =	vst v63  }
0x39: {  	s1 =	smul.u32 $0xA00, s30;
	_ =	swait.ge [sflag:s12], $0x5000  }
0x3a: {  	[sflag:s12] =	ssyncset.done $0x0  }
0x3b: {  	p1 =	seq.s32 s26, $0x0;
	s0 =	sadd.s32 s4, s1;
	[sflag:s12] =	ssyncadd.s32 $0xFFFFB000  }
0x3c: {  	[hbm4b:s0+s5] =	stream.linear.scatter [tilespmem:s5], [sflag:$0x4], $0x5000, $0x38;
	[tilespmem:$0x12C00] =	vst v63  }
0x3d: {  	s0 =	simm.s32 @!p1 $0x7  }
0x3e: {  	_ =	swait.ge @!p1 [sflag:s0], $0x1400  }
0x3f: {  	[sflag:s0] =	ssyncset.done @!p1 $0x0  }
0x40: {  	s8 =	simm.s32 $0xC0;
	[sflag:s0] =	ssyncadd.s32 @!p1 $0xFFFFEC00  }
0x41: {  	v0 =	vld [tilespmem:s8+$0xFFFFFFC0]  }
0x42: {  	v1 =	vld [tilespmem:s8+$0xA0]  }
0x43: {  	v2 =	vld [tilespmem:s8+$0x40]  }
0x44: {  	v3 =	vld [tilespmem:s8+$0x60]  }
0x45: {  	v4 =	vld [tilespmem:s8+$0x50]  }
0x46: {  	v5 =	vld [tilespmem:s8+$0xB0]  }
0x47: {  	v6 =	vld [tilespmem:s8+$0xFFFFFF40]  }
0x48: {  	v7 =	vld [tilespmem:s8+$0x90]  }
0x49: {  	v8 =	vld [tilespmem:s8+$0xFFFFFFB0]  }
0x4a: {  	v9 =	vld [tilespmem:s8+$0xFFFFFFA0]  }
0x4b: {  	v10 =	vld [tilespmem:s8+$0xFFFFFF80]  }
0x4c: {  	v11 =	vld [tilespmem:s8+$0xFFFFFFD0]  }
0x4d: {  	v12 =	vld [tilespmem:s8+$0xFFFFFF50]  }
0x4e: {  	v13 =	vld [tilespmem:s8+$0x0]  }
0x4f: {  	s9 =	simm.s32 $0x2C0;
	v14 =	vld [tilespmem:s8+$0x70];
	v0 =	vmul.f32 v0, v0  }
0x50: {  	v30 =	vld [tilespmem:s9+$0x90];
	v2 =	vmul.f32 v2, v2;
	v5 =	vmul.f32 v5, v5  }
0x51: {  	v21 =	vld [tilespmem:s8+$0x30];
	v4 =	vmul.f32 v4, v4;
	v6 =	vmul.f32 v6, v6  }
0x52: {  	v31 =	vld [tilespmem:s9+$0xFFFFFFB0];
	v9 =	vmul.f32 v9, v9;
	v1 =	vmul.f32 v1, v1  }
0x53: {  	v15 =	vld [tilespmem:s8+$0x80];
	v3 =	vmul.f32 v3, v3;
	v11 =	vmul.f32 v11, v11  }
0x54: {  	v16 =	vld [tilespmem:s8+$0xFFFFFF90];
	v12 =	vmul.f32 v12, v12;
	v10 =	vmul.f32 v10, v10  }
0x55: {  	v13 =	vmul.f32 v13, v13;
	v35 =	vmul.f32 v30, v30;
	v30 =	vld [tilespmem:s9+$0xFFFFFF60]  }
0x56: {  	v17 =	vld [tilespmem:s8+$0xFFFFFFE0];
	v18 =	vmul.f32 v7, v7;
	v14 =	vmul.f32 v14, v14;
	v0 =	vadd.f32 v0, v6  }
0x57: {  	v21 =	vmul.f32 v21, v21;
	v31 =	vmul.f32 v31, v31;
	v6 =	vld [tilespmem:s8+$0xFFFFFF60]  }
0x58: {  	v7 =	vadd.f32 v2, v0;
	v0 =	vadd.f32 v11, v12;
	v2 =	vmul.f32 v8, v8  }
0x59: {  	v10 =	vadd.f32 v13, v10;
	v8 =	vmul.f32 v15, v15;
	v12 =	vmul.f32 v16, v16  }
0x5a: {  	v11 =	vld [tilespmem:s8+$0xFFFFFFF0];
	v30 =	vmul.f32 v30, v30;
	v13 =	vshra.s32 v7, $0x1;
	v4 =	vadd.f32 v4, v0  }
0x5b: {  	v8 =	vadd.f32 v8, v10;
	v10 =	vmul.f32 v17, v17;
	v22 =	vmul.f32 $5.000000000e-01, v7  }
0x5c: {  	v17 =	vld [tilespmem:s8+$0xFFFFFF70];
	v0 =	vmul.f32 v6, v6;
	v15 =	vmul.f32 $5.000000000e-01, v4;
	v16 =	vshra.s32 v4, $0x1  }
0x5d: {  	v13 =	vsub.s32 $0x5F3759DF, v13;
	v19 =	vshra.s32 v8, $0x1;
	v16 =	vsub.s32 $0x5F3759DF, v16  }
0x5e: {  	v6 =	vld [tilespmem:s8+$0x20];
	v20 =	vmul.f32 $5.000000000e-01, v8;
	v19 =	vsub.s32 $0x5F3759DF, v19;
	v23 =	vmul.f32 v16, v15  }
0x5f: {  	v11 =	vmul.f32 v11, v11;
	v0 =	vadd.f32 v10, v0;
	v10 =	vmul.f32 v13, v22  }
0x60: {  	v24 =	vmul.f32 v19, v20;
	v23 =	vmul.f32 v16, v23  }
0x61: {  	v10 =	vmul.f32 v13, v10;
	v17 =	vmul.f32 v17, v17  }
0x62: {  	v25 =	vld [tilespmem:s8+$0x10];
	v0 =	vadd.f32 v3, v0;
	v24 =	vmul.f32 v19, v24;
	v3 =	vsub.f32 $1.500000000e+00, v23  }
0x63: {  	v6 =	vmul.f32 v6, v6;
	v10 =	vsub.f32 $1.500000000e+00, v10;
	v11 =	vadd.f32 v11, v17  }
0x64: {  	v17 =	vadd.f32 v21, v2;
	v23 =	vsub.f32 $1.500000000e+00, v24;
	v3 =	vmul.f32 v16, v3  }
0x65: {  	v37 =	vmul.f32 $5.000000000e-01, v0;
	v6 =	vadd.f32 v6, v9;
	v10 =	vmul.f32 v13, v10  }
0x66: {  	v13 =	vld [tilespmem:s9+$0xA0];
	v2 =	vadd.f32 v14, v11;
	v9 =	vmul.f32 v19, v23;
	v15 =	vmul.f32 v3, v15  }
0x67: {  	v14 =	vld [tilespmem:s9+$0x60];
	v16 =	vmul.f32 v25, v25;
	v1 =	vadd.f32 v1, v6;
	v11 =	vmul.f32 v10, v22  }
0x68: {  	v19 =	vld [tilespmem:s9+$0xFFFFFFC0];
	v6 =	vmul.f32 v9, v20;
	v15 =	vmul.f32 v15, v3  }
0x69: {  	v25 =	vmul.f32 $5.000000000e-01, v2;
	v21 =	vshra.s32 v1, $0x1;
	v22 =	vmul.f32 $5.000000000e-01, v1  }
0x6a: {  	v28 =	vld [tilespmem:s9+$0xFFFFFF40];
	v21 =	vsub.s32 $0x5F3759DF, v21;
	v6 =	vmul.f32 v6, v9;
	v15 =	vsub.f32 $1.500000000e+00, v15  }
0x6b: {  	v26 =	vld [tilespmem:s9+$0xB0];
	v29 =	vshra.s32 v2, $0x1;
	v11 =	vmul.f32 v11, v10;
	v27 =	vmul.f32 v21, v22  }
0x6c: {  	v23 =	vld [tilespmem:s9+$0x50];
	v34 =	vmul.f32 v13, v13;
	v6 =	vsub.f32 $1.500000000e+00, v6;
	v3 =	vmul.f32 v15, v3  }
0x6d: {  	v29 =	vsub.s32 $0x5F3759DF, v29;
	v14 =	vmul.f32 v14, v14;
	v19 =	vmul.f32 v19, v19;
	v15 =	vld [tilespmem:s9+$0xFFFFFFA0]  }
0x6e: {  	v20 =	vld [tilespmem:s9+$0x40];
	v9 =	vmul.f32 v6, v9;
	v32 =	vmul.f32 v3, v4;
	v4 =	vadd.f32 v5, v17  }
0x6f: {  	v13 =	vld [tilespmem:s9+$0x0];
	v3 =	vmul.f32 v29, v25;
	v5 =	vadd.f32 v16, v12;
	v16 =	vmul.f32 v28, v28  }
0x70: {  	v6 =	vmul.f32 v26, v26;
	v17 =	vld [tilespmem:s9+$0x70];
	v28 =	vmul.f32 v9, v8;
	v8 =	vshra.s32 v4, $0x1  }
0x71: {  	v26 =	vmul.f32 $5.000000000e-01, v4;
	v36 =	vmul.f32 v29, v3;
	v3 =	vadd.f32 v19, v16;
	v19 =	vld [tilespmem:s9+$0xFFFFFFF0]  }
0x72: {  	v11 =	vsub.f32 $1.500000000e+00, v11;
	v33 =	vmul.f32 v15, v15;
	v8 =	vsub.s32 $0x5F3759DF, v8;
	v15 =	vld [tilespmem:s9+$0xFFFFFF90]  }
0x73: {  	v20 =	vmul.f32 v20, v20;
	v12 =	vld [tilespmem:s9+$0xFFFFFF80];
	v5 =	vadd.f32 v18, v5;
	v18 =	vmul.f32 v8, v26  }
0x74: {  	v23 =	vmul.f32 v23, v23;
	v10 =	vmul.f32 v11, v10;
	v9 =	vld [tilespmem:s9+$0x80];
	v11 =	vsub.f32 $1.500000000e+00, v36  }
0x75: {  	v27 =	vmul.f32 v21, v27;
	v3 =	vadd.f32 v20, v3;
	v20 =	vld [tilespmem:s9+$0xFFFFFFE0];
	v18 =	vmul.f32 v8, v18  }
0x76: {  	v24 =	vshra.s32 v0, $0x1;
	v57 =	vmul.f32 v19, v19;
	v19 =	vmul.f32 v29, v11;
	v29 =	vld [tilespmem:s9+$0x10]  }
0x77: {  	v24 =	vsub.s32 $0x5F3759DF, v24;
	v13 =	vmul.f32 v13, v13;
	v40 =	vmul.f32 v15, v15;
	v15 =	vld [tilespmem:s9+$0xFFFFFFD0]  }
0x78: {  	v45 =	vmul.f32 v10, v7;
	v41 =	vmul.f32 v12, v12;
	v12 =	vsub.f32 $1.500000000e+00, v18;
	v18 =	vld [tilespmem:s9+$0xFFFFFF50]  }
0x79: {  	v16 =	vld [tilespmem:s9+$0x20];
	v38 =	vshra.s32 v5, $0x1;
	v39 =	vmul.f32 $5.000000000e-01, v5;
	v17 =	vmul.f32 v17, v17  }
0x7a: {  	v38 =	vsub.s32 $0x5F3759DF, v38;
	v9 =	vmul.f32 v9, v9;
	v10 =	vmul.f32 v20, v20;
	v20 =	vld [tilespmem:s9+$0x30]  }
0x7b: {  	v27 =	vsub.f32 $1.500000000e+00, v27;
	v42 =	vmul.f32 v38, v39;
	v12 =	vmul.f32 v8, v12  }
0x7c: {  	v7 =	vadd.f32 v13, v41;
	v29 =	vmul.f32 v29, v29;
	v44 =	vmul.f32 v15, v15  }
0x7d: {  	v8 =	vshra.s32 v3, $0x1;
	v15 =	vmul.f32 v21, v27;
	v13 =	vmul.f32 v18, v18  }
0x7e: {  	v43 =	vld [tilespmem:s9+$0xFFFFFF70];
	v21 =	vsub.s32 $0x5F3759DF, v8;
	v18 =	vmul.f32 v16, v16;
	v27 =	vmul.f32 $5.000000000e-01, v3  }
0x7f: {  	v8 =	vadd.f32 v9, v7;
	v9 =	vadd.f32 v10, v30;
	v20 =	vmul.f32 v20, v20  }
0x80: {  	v62 =	vadd.f32 v29, v40;
	v7 =	vadd.f32 v44, v13;
	v10 =	vmul.f32 v15, v22  }
0x81: {  	v11 =	vmul.f32 v21, v27;
	v16 =	vshra.s32 v8, $0x1;
	v22 =	vmul.f32 v38, v42  }
0x82: {  	v9 =	vadd.f32 v14, v9;
	v59 =	vmul.f32 $5.000000000e-01, v8;
	v30 =	vsub.s32 $0x5F3759DF, v16  }
0x83: {  	v13 =	vadd.f32 v23, v7;
	v7 =	vmul.f32 v43, v43;
	v11 =	vmul.f32 v21, v11  }
0x84: {  	v20 =	vadd.f32 v20, v31;
	v58 =	vmul.f32 v10, v15;
	v10 =	vmul.f32 v19, v25  }
0x85: {  	v25 =	vmul.f32 v12, v26;
	v22 =	vsub.f32 $1.500000000e+00, v22;
	v23 =	vmul.f32 $5.000000000e-01, v13  }
0x86: {  	v14 =	vshra.s32 v13, $0x1;
	v16 =	vadd.f32 v57, v7;
	v31 =	vmul.f32 v10, v19  }
0x87: {  	v10 =	vsub.f32 $1.500000000e+00, v11;
	v11 =	vmul.f32 v24, v37;
	v26 =	vmul.f32 v25, v12  }
0x88: {  	v22 =	vmul.f32 v38, v22;
	v60 =	vsub.s32 $0x5F3759DF, v14;
	v14 =	vshra.s32 v9, $0x1  }
0x89: {  	v7 =	vsub.s32 $0x5F3759DF, v14;
	v14 =	vmul.f32 v30, v59;
	v61 =	vmul.f32 v60, v23  }
0x8a: {  	v16 =	vadd.f32 v17, v16;
	v17 =	vadd.f32 v18, v33;
	v25 =	vmul.f32 v24, v11  }
0x8b: {  	v11 =	vmul.f32 v21, v10;
	v29 =	vsub.f32 $1.500000000e+00, v31;
	v14 =	vmul.f32 v30, v14  }
0x8c: {  	s1 =	simm.s32 $0xF040;
	v18 =	vadd.f32 v34, v17;
	v17 =	vmul.f32 v60, v61;
	v21 =	vsub.f32 $1.500000000e+00, v25  }
0x8d: {  	[tilespmem:s1+$0xFFFFFFD0] =	vst v32;
	v32 =	vmul.f32 v22, v39;
	v63 =	vmul.f32 v11, v27;
	v14 =	vsub.f32 $1.500000000e+00, v14  }
0x8e: {  	v10 =	vmul.f32 $5.000000000e-01, v16;
	v36 =	vsub.f32 $1.500000000e+00, v17;
	v24 =	vmul.f32 v24, v21  }
0x8f: {  	v27 =	vsub.f32 $1.500000000e+00, v58;
	v25 =	vmul.f32 v30, v14;
	v14 =	vmul.f32 v63, v11  }
0x90: {  	s31 =	simm.s32 $0xF0C0;
	[tilespmem:s1+$0x0] =	vst v28;
	v17 =	vadd.f32 v35, v62;
	v30 =	vshra.s32 v18, $0x1;
	v28 =	vmul.f32 v60, v36  }
0x91: {  	s0 =	simm.s32 $0x8;
	s8 =	simm.s32 $0xF0C0;
	[tilespmem:s1+$0xFFFFFFC0] =	vst v45;
	s9 =	simm.s32 $0x4C0;
	v33 =	vmul.f32 v24, v37;
	v31 =	vmul.f32 v25, v59;
	v14 =	vsub.f32 $1.500000000e+00, v14  }
.LBB2_4:
0x92: {  	v34 =	vld [tilespmem:s9+$0xFFFFFFC0];
	s0 =	sadd.s32 $0x8, s0;
	v21 =	vmul.f32 $5.000000000e-01, v18;
	s8 =	sadd.s32 $0x80, s8;
	v32 =	vmul.f32 v32, v22;
	v26 =	vsub.f32 $1.500000000e+00, v26  }
0x93: {  	v35 =	vld [tilespmem:s9+$0xA0];
	p1 =	slt.u32 s0, $0x138;
	v36 =	vmul.f32 v28, v23;
	v23 =	vsub.s32 $0x5F3759DF, v30;
	v30 =	vmul.f32 v33, v24  }
0x94: {  	v31 =	vmul.f32 v31, v25;
	v19 =	vmul.f32 v29, v19;
	v33 =	vld [tilespmem:s9+$0x40];
	v29 =	vsub.f32 $1.500000000e+00, v32  }
0x95: {  	v15 =	vmul.f32 v27, v15;
	v32 =	vld [tilespmem:s9+$0x60];
	v36 =	vmul.f32 v36, v28;
	v30 =	vsub.f32 $1.500000000e+00, v30  }
0x96: {  	v31 =	vsub.f32 $1.500000000e+00, v31;
	v37 =	vmul.f32 v23, v21;
	v12 =	vmul.f32 v26, v12;
	v27 =	vld [tilespmem:s9+$0x50]  }
0x97: {  	v19 =	vmul.f32 v19, v2;
	v2 =	vmovc v16;
	v26 =	vmul.f32 v34, v34;
	v34 =	vld [tilespmem:s9+$0xB0];
	v36 =	vsub.f32 $1.500000000e+00, v36  }
0x98: {  	v15 =	vmul.f32 v15, v1;
	v1 =	vmovc v18;
	v38 =	vshra.s32 v2, $0x1;
	v25 =	vmul.f32 v31, v25;
	v16 =	vld [tilespmem:s9+$0xFFFFFF40]  }
0x99: {  	v20 =	vadd.f32 v6, v20;
	v24 =	vmul.f32 v30, v24;
	v18 =	vld [tilespmem:s9+$0x90];
	v28 =	vmul.f32 v36, v28;
	[tilespmem:s1+$0xFFFFFFF0] =	vst v19  }
0x9a: {  	v31 =	vsub.s32 $0x5F3759DF, v38;
	v22 =	vmul.f32 v29, v22;
	v19 =	vmul.f32 v33, v33;
	v30 =	vld [tilespmem:s9+$0xFFFFFFB0];
	[tilespmem:s1+$0x20] =	vst v15  }
0x9b: {  	v29 =	vshra.s32 v20, $0x1;
	v15 =	vld [tilespmem:s9+$0xFFFFFFA0];
	v13 =	vmul.f32 v28, v13;
	v28 =	vmul.f32 v31, v10  }
0x9c: {  	v12 =	vmul.f32 v12, v4;
	v4 =	vmovc v20;
	v29 =	vsub.s32 $0x5F3759DF, v29;
	v33 =	vld [tilespmem:s9+$0x70];
	v6 =	vmul.f32 v34, v34  }
0x9d: {  	v20 =	vmul.f32 v27, v27;
	v27 =	vld [tilespmem:s9+$0xFFFFFF80];
	[tilespmem:s31+$0xFFFFFFD0] =	vst v13;
	v13 =	vmul.f32 v24, v0;
	v0 =	vmov v9  }
0x9e: {  	v22 =	vmul.f32 v22, v5;
	v5 =	vmov v17;
	v9 =	vmul.f32 v16, v16;
	v16 =	vld [tilespmem:s9+$0x80];
	[tilespmem:s1+$0x30] =	vst v12  }
0x9f: {  	v8 =	vmul.f32 v25, v8;
	v17 =	vmul.f32 $5.000000000e-01, v4;
	v12 =	vld [tilespmem:s9+$0x0];
	[tilespmem:s1+$0xFFFFFFE0] =	vst v13  }
0xa0: {  	v25 =	vmul.f32 v35, v35;
	v9 =	vadd.f32 v26, v9;
	v13 =	vld [tilespmem:s9+$0xFFFFFF90];
	v24 =	vmul.f32 v15, v15;
	[tilespmem:s1+$0x10] =	vst v22;
	s1 =	smov.u32 s31;
	s31 =	smov.u32 s8  }
0xa1: {  	v22 =	vmul.f32 v32, v32;
	v26 =	vld [tilespmem:s9+$0xFFFFFF70];
	[tilespmem:s1+$0x0] =	vst v8;
	v8 =	vmul.f32 v29, v17  }
0xa2: {  	v32 =	vmul.f32 v18, v18;
	v18 =	vmul.f32 v31, v28;
	v15 =	vld [tilespmem:s9+$0xFFFFFF60]  }
0xa3: {  	v28 =	vmul.f32 v23, v37;
	v9 =	vadd.f32 v19, v9;
	v19 =	vld [tilespmem:s9+$0x20];
	v8 =	vmul.f32 v29, v8  }
0xa4: {  	v35 =	vmul.f32 $5.000000000e-01, v0;
	v30 =	vmul.f32 v30, v30;
	v18 =	vsub.f32 $1.500000000e+00, v18;
	v34 =	vld [tilespmem:s9+$0x10]  }
0xa5: {  	v38 =	vmul.f32 $5.000000000e-01, v5;
	v36 =	vld [tilespmem:s9+$0xFFFFFFF0];
	v37 =	vmul.f32 v13, v13;
	v13 =	vshra.s32 v5, $0x1  }
0xa6: {  	v33 =	vmul.f32 v33, v33;
	v39 =	vshra.s32 v9, $0x1;
	v40 =	vld [tilespmem:s9+$0xFFFFFFD0];
	v41 =	vsub.s32 $0x5F3759DF, v13  }
0xa7: {  	v27 =	vmul.f32 v27, v27;
	v8 =	vsub.f32 $1.500000000e+00, v8;
	v13 =	vld [tilespmem:s9+$0xFFFFFFE0];
	v42 =	vmul.f32 v41, v38  }
0xa8: {  	v11 =	vmul.f32 v14, v11;
	v39 =	vsub.s32 $0x5F3759DF, v39;
	v12 =	vmul.f32 v12, v12;
	v43 =	vld [tilespmem:s9+$0xFFFFFF50]  }
0xa9: {  	v16 =	vmul.f32 v16, v16;
	v14 =	vmul.f32 v15, v15;
	v15 =	vsub.f32 $1.500000000e+00, v28  }
0xaa: {  	v27 =	vadd.f32 v12, v27;
	v12 =	vmul.f32 v29, v8;
	v28 =	vmul.f32 v36, v36  }
0xab: {  	v8 =	vmul.f32 v11, v3;
	v3 =	vmov v9;
	v29 =	vmul.f32 v40, v40  }
0xac: {  	v15 =	vmul.f32 v23, v15;
	v9 =	vmul.f32 v13, v13;
	v11 =	vld [tilespmem:s9+$0x30]  }
0xad: {  	v36 =	vmul.f32 v19, v19;
	v13 =	vmul.f32 v43, v43;
	[tilespmem:s1+$0xFFFFFFC0] =	vst v8  }
0xae: {  	v19 =	vmul.f32 v31, v18;
	v40 =	vmul.f32 $5.000000000e-01, v3;
	v8 =	vadd.f32 v16, v27  }
0xaf: {  	v9 =	vadd.f32 v9, v14;
	v14 =	vmul.f32 v15, v21;
	v13 =	vadd.f32 v29, v13  }
0xb0: {  	v16 =	vmul.f32 v39, v40;
	v21 =	vmul.f32 v41, v42;
	v18 =	vshra.s32 v8, $0x1  }
0xb1: {  	v13 =	vadd.f32 v20, v13;
	v20 =	vmul.f32 v26, v26;
	v11 =	vmul.f32 v11, v11  }
0xb2: {  	v16 =	vmul.f32 v39, v16;
	v29 =	vsub.s32 $0x5F3759DF, v18;
	v14 =	vmul.f32 v14, v15  }
0xb3: {  	v10 =	vmul.f32 v19, v10;
	v9 =	vadd.f32 v22, v9;
	v23 =	vmul.f32 $5.000000000e-01, v13  }
0xb4: {  	v17 =	vmul.f32 v12, v17;
	v31 =	vmul.f32 $5.000000000e-01, v8;
	v18 =	vshra.s32 v13, $0x1  }
0xb5: {  	v22 =	vadd.f32 v28, v20;
	v42 =	vsub.s32 $0x5F3759DF, v18;
	v18 =	vshra.s32 v9, $0x1  }
0xb6: {  	v21 =	vsub.f32 $1.500000000e+00, v21;
	v28 =	vsub.s32 $0x5F3759DF, v18;
	v18 =	vmul.f32 v29, v31  }
0xb7: {  	v27 =	vmul.f32 v34, v34;
	v20 =	vadd.f32 v11, v30;
	v30 =	vmul.f32 v10, v19  }
0xb8: {  	v10 =	vsub.f32 $1.500000000e+00, v16;
	v11 =	vmul.f32 v7, v35;
	v34 =	vmul.f32 v42, v23  }
0xb9: {  	v26 =	vmul.f32 v17, v12;
	v16 =	vadd.f32 v33, v22;
	v22 =	vadd.f32 v36, v24  }
0xba: {  	v33 =	vadd.f32 v27, v37;
	v24 =	vmul.f32 v7, v11;
	v17 =	vmul.f32 v29, v18  }
0xbb: {  	v11 =	vmul.f32 v39, v10;
	v18 =	vadd.f32 v25, v22;
	v22 =	vmul.f32 v41, v21  }
0xbc: {  	v21 =	vmul.f32 v42, v34;
	v24 =	vsub.f32 $1.500000000e+00, v24;
	v17 =	vsub.f32 $1.500000000e+00, v17  }
.Ltmp5:
0xbd: {  	v27 =	vsub.f32 $1.500000000e+00, v14;
	v34 =	vmul.f32 v11, v40;
	v10 =	vmul.f32 $5.000000000e-01, v16;
	(pc) =	sbr.rel @p1 .LBB2_4-.Ltmp5, $4  }
0xbe: {  	v21 =	vsub.f32 $1.500000000e+00, v21;
	v25 =	vmul.f32 v29, v17;
	v29 =	vsub.f32 $1.500000000e+00, v30  }
0xbf: {  	v14 =	vmul.f32 v34, v11;
	v24 =	vmul.f32 v7, v24;
	v7 =	vmovc v28;
	v30 =	vshra.s32 v18, $0x1  }
0xc0: {  	v17 =	vadd.f32 v32, v33;
	v32 =	vmul.f32 v22, v38;
	v31 =	vmul.f32 v25, v31  }
0xc1: {  	s9 =	sadd.s32 $0x200, s9;
	v14 =	vsub.f32 $1.500000000e+00, v14;
	v28 =	vmul.f32 v42, v21;
	v33 =	vmul.f32 v24, v35  }
0xc2: {  	v21 =	vmul.f32 $5.000000000e-01, v18  }
0xc3: {  	v32 =	vmul.f32 v32, v22;
	v26 =	vsub.f32 $1.500000000e+00, v26;
	v31 =	vmul.f32 v31, v25  }
0xc4: {  	v30 =	vsub.s32 $0x5F3759DF, v30;
	v19 =	vmul.f32 v29, v19;
	v15 =	vmul.f32 v27, v15  }
0xc5: {  	v62 =	vshra.s32 v16, $0x1;
	v41 =	vmul.f32 $5.000000000e-01, v9;
	v43 =	vmul.f32 $5.000000000e-01, v17  }
0xc6: {  	v6 =	vadd.f32 v6, v20;
	v23 =	vmul.f32 v28, v23;
	v33 =	vmul.f32 v33, v24  }
0xc7: {  	v42 =	vshra.s32 v17, $0x1;
	v56 =	vmul.f32 v14, v11;
	v60 =	vmul.f32 v30, v21  }
0xc8: {  	v27 =	vsub.s32 $0x5F3759DF, v42;
	v12 =	vmul.f32 v26, v12;
	v2 =	vmul.f32 v19, v2  }
0xc9: {  	v59 =	vsub.f32 $1.500000000e+00, v31;
	v1 =	vmul.f32 v15, v1;
	v37 =	vmul.f32 $5.000000000e-01, v6  }
0xca: {  	v19 =	vsub.s32 $0x5F3759DF, v62;
	v44 =	vmul.f32 v7, v41;
	v23 =	vmul.f32 v23, v28  }
0xcb: {  	v58 =	vsub.f32 $1.500000000e+00, v32;
	v45 =	vmul.f32 v27, v43;
	v35 =	vmul.f32 v19, v10  }
0xcc: {  	v3 =	vmul.f32 v56, v3;
	v63 =	vmul.f32 v59, v25;
	v23 =	vsub.f32 $1.500000000e+00, v23  }
0xcd: {  	v34 =	vmul.f32 v58, v22;
	v4 =	vmul.f32 v12, v4  }
0xce: {  	v36 =	vshra.s32 v6, $0x1;
	v40 =	vmul.f32 v30, v60;
	v23 =	vmul.f32 v23, v28  }
0xcf: {  	v61 =	vsub.f32 $1.500000000e+00, v33;
	v29 =	vmul.f32 v7, v44;
	v39 =	vmul.f32 v19, v35  }
0xd0: {  	v22 =	vsub.f32 $1.500000000e+00, v40;
	v13 =	vmul.f32 v23, v13;
	v23 =	vsub.s32 $0x5F3759DF, v36  }
0xd1: {  	v46 =	vmul.f32 v27, v45;
	v47 =	vsub.f32 $1.500000000e+00, v29;
	v38 =	vmul.f32 v23, v37  }
0xd2: {  	v33 =	vmul.f32 v61, v24;
	v15 =	vsub.f32 $1.500000000e+00, v39;
	v22 =	vmul.f32 v30, v22  }
0xd3: {  	v49 =	vmul.f32 v7, v47;
	v12 =	vmul.f32 v23, v38  }
0xd4: {  	v5 =	vmul.f32 v34, v5;
	v15 =	vmul.f32 v19, v15;
	v19 =	vsub.f32 $1.500000000e+00, v46  }
0xd5: {  	v21 =	vmul.f32 v22, v21;
	v53 =	vmul.f32 v49, v41;
	v12 =	vsub.f32 $1.500000000e+00, v12  }
0xd6: {  	v48 =	vmul.f32 v15, v10;
	v51 =	vmul.f32 v27, v19  }
0xd7: {  	[tilespmem:s1+$0xFFFFFFF0] =	vst v2;
	v52 =	vmul.f32 v21, v22;
	v12 =	vmul.f32 v23, v12  }
0xd8: {  	[tilespmem:s1+$0x20] =	vst v1;
	v57 =	vmul.f32 v53, v49;
	v55 =	vmul.f32 v51, v43  }
0xd9: {  	[tilespmem:s31+$0xFFFFFFC0] =	vst v3;
	v50 =	vmul.f32 v48, v15;
	v1 =	vsub.f32 $1.500000000e+00, v52;
	v23 =	vmul.f32 v12, v37  }
0xda: {  	[tilespmem:s1+$0x30] =	vst v4;
	v0 =	vmul.f32 v33, v0;
	v59 =	vsub.f32 $1.500000000e+00, v57;
	v58 =	vmul.f32 v55, v51  }
0xdb: {  	[tilespmem:s1+$0x10] =	vst v5;
	v2 =	vsub.f32 $1.500000000e+00, v50;
	v1 =	vmul.f32 v1, v22;
	v54 =	vmul.f32 v23, v12  }
0xdc: {  	v8 =	vmul.f32 v63, v8;
	[tilespmem:s1+$0xFFFFFFE0] =	vst v0;
	v61 =	vmul.f32 v59, v49;
	v0 =	vsub.f32 $1.500000000e+00, v58  }
0xdd: {  	[tilespmem:s31+$0xFFFFFFD0] =	vst v13;
	v2 =	vmul.f32 v2, v15;
	v1 =	vmul.f32 v1, v18;
	v13 =	vsub.f32 $1.500000000e+00, v54  }
0xde: {  	[tilespmem:s31+$0x0] =	vst v8;
	v63 =	vmul.f32 v61, v9;
	v0 =	vmul.f32 v0, v51  }
0xdf: {  	v2 =	vmul.f32 v2, v16;
	[tilespmem:s31+$0x20] =	vst v1;
	v60 =	vmul.f32 v13, v12  }
0xe0: {  	[tilespmem:s31+$0xFFFFFFE0] =	vst v63;
	v0 =	vmul.f32 v0, v17  }
0xe1: {  	s0 =	smul.u32 $0x280, s30;
	[tilespmem:s31+$0xFFFFFFF0] =	vst v2;
	v62 =	vmul.f32 v60, v6  }
0xe2: {  	[tilespmem:s31+$0x10] =	vst v0  }
0xe3: {  	s0 =	sadd.s32 s3, s0;
	[tilespmem:s31+$0x30] =	vst v62  }
0xe4: {  	[hbm4b:s0+s5] =	stream.linear.scatter [tilespmem:s13], [sflag:$0x7], $0x1400, $0x38;
	[tilespmem:$0x12C00] =	vst v63  }
.LBB2_6:
0xe5: {  	s0 =	sadd.s32 $0x1, s29  }
0xe6: {  	p1 =	sge.u32 s0, s7  }
.Ltmp6:
0xe7: {  	_ = 	snop;
	(pc) =	sbr.rel @p1 .LBB2_10-.Ltmp6, $1  }
0xe8: {  	_ =	sdelay $0x3  }
0xe9: {  	s1 =	sadd.s32 $0x3, s29  }
0xea: {  	p1 =	sge.u32 s1, s7  }
0xeb: {  	s8 =	simm.s32 @!p1 $0x4;
	s1 =	sadd.s32 @!p1 s6, s1  }
0xec: {  	_ =	swait.ge @!p1 [sflag:s8], $0x5000;
	s1 =	smul.u32 @!p1 $0xA00, s1  }
0xed: {  	s30 =	sadd.s32 s6, s0;
	[sflag:s8] =	ssyncset.done @!p1 $0x0  }
0xee: {  	[sflag:s8] =	ssyncadd.s32 @!p1 $0xFFFFB000;
	s1 =	sadd.s32 @!p1 s2, s1;
	s8 =	simm.s32 @!p1 $0x0  }
0xef: {  	[tilespmem:s8], [sflag:$0x1] =	stream.linear.gather @!p1 [hbm4b:s1+s8], $0x5000, $0x38;
	[tilespmem:$0x12C00] =	vst v63  }
0xf0: {  	s0 =	smul.u32 $0xA00, s30;
	_ =	swait.ge [sflag:s14], $0x5000  }
0xf1: {  	[sflag:s14] =	ssyncset.done $0x0  }
0xf2: {  	s0 =	sadd.s32 s4, s0;
	p1 =	seq.s32 s26, $0x0;
	[sflag:s14] =	ssyncadd.s32 $0xFFFFB000  }
0xf3: {  	[hbm4b:s0+s5] =	stream.linear.scatter [tilespmem:s11], [sflag:$0x5], $0x5000, $0x38;
	[tilespmem:$0x12C00] =	vst v63  }
0xf4: {  	s0 =	simm.s32 @!p1 $0x8  }
0xf5: {  	_ =	swait.ge @!p1 [sflag:s0], $0x1400  }
0xf6: {  	[sflag:s0] =	ssyncset.done @!p1 $0x0  }
0xf7: {  	s8 =	simm.s32 $0x50C0;
	[sflag:s0] =	ssyncadd.s32 @!p1 $0xFFFFEC00  }
0xf8: {  	v0 =	vld [tilespmem:s8+$0xFFFFFFC0]  }
0xf9: {  	v1 =	vld [tilespmem:s8+$0xA0]  }
0xfa: {  	v2 =	vld [tilespmem:s8+$0x40]  }
0xfb: {  	v3 =	vld [tilespmem:s8+$0x60]  }
0xfc: {  	v4 =	vld [tilespmem:s8+$0x50]  }
0xfd: {  	v5 =	vld [tilespmem:s8+$0xB0]  }
0xfe: {  	v6 =	vld [tilespmem:s8+$0xFFFFFF40]  }
0xff: {  	v7 =	vld [tilespmem:s8+$0x90]  }
0x100: {  	v8 =	vld [tilespmem:s8+$0xFFFFFFB0]  }
0x101: {  	v9 =	vld [tilespmem:s8+$0xFFFFFFA0]  }
0x102: {  	v10 =	vld [tilespmem:s8+$0xFFFFFF80]  }
0x103: {  	v11 =	vld [tilespmem:s8+$0xFFFFFFD0]  }
0x104: {  	v12 =	vld [tilespmem:s8+$0xFFFFFF50]  }
0x105: {  	v13 =	vld [tilespmem:s8+$0x0]  }
0x106: {  	s9 =	simm.s32 $0x52C0;
	v14 =	vld [tilespmem:s8+$0x70];
	v0 =	vmul.f32 v0, v0  }
0x107: {  	v30 =	vld [tilespmem:s9+$0x90];
	v2 =	vmul.f32 v2, v2;
	v5 =	vmul.f32 v5, v5  }
0x108: {  	v21 =	vld [tilespmem:s8+$0x30];
	v4 =	vmul.f32 v4, v4;
	v6 =	vmul.f32 v6, v6  }
0x109: {  	v31 =	vld [tilespmem:s9+$0xFFFFFFB0];
	v9 =	vmul.f32 v9, v9;
	v1 =	vmul.f32 v1, v1  }
0x10a: {  	v15 =	vld [tilespmem:s8+$0x80];
	v3 =	vmul.f32 v3, v3;
	v11 =	vmul.f32 v11, v11  }
0x10b: {  	v16 =	vld [tilespmem:s8+$0xFFFFFF90];
	v12 =	vmul.f32 v12, v12;
	v10 =	vmul.f32 v10, v10  }
0x10c: {  	v13 =	vmul.f32 v13, v13;
	v35 =	vmul.f32 v30, v30;
	v30 =	vld [tilespmem:s9+$0xFFFFFF60]  }
0x10d: {  	v17 =	vld [tilespmem:s8+$0xFFFFFFE0];
	v18 =	vmul.f32 v7, v7;
	v14 =	vmul.f32 v14, v14;
	v0 =	vadd.f32 v0, v6  }
0x10e: {  	v21 =	vmul.f32 v21, v21;
	v31 =	vmul.f32 v31, v31;
	v6 =	vld [tilespmem:s8+$0xFFFFFF60]  }
0x10f: {  	v7 =	vadd.f32 v2, v0;
	v0 =	vadd.f32 v11, v12;
	v2 =	vmul.f32 v8, v8  }
0x110: {  	v10 =	vadd.f32 v13, v10;
	v8 =	vmul.f32 v15, v15;
	v12 =	vmul.f32 v16, v16  }
0x111: {  	v11 =	vld [tilespmem:s8+$0xFFFFFFF0];
	v30 =	vmul.f32 v30, v30;
	v13 =	vshra.s32 v7, $0x1;
	v4 =	vadd.f32 v4, v0  }
0x112: {  	v8 =	vadd.f32 v8, v10;
	v10 =	vmul.f32 v17, v17;
	v22 =	vmul.f32 $5.000000000e-01, v7  }
0x113: {  	v17 =	vld [tilespmem:s8+$0xFFFFFF70];
	v0 =	vmul.f32 v6, v6;
	v15 =	vmul.f32 $5.000000000e-01, v4;
	v16 =	vshra.s32 v4, $0x1  }
0x114: {  	v13 =	vsub.s32 $0x5F3759DF, v13;
	v19 =	vshra.s32 v8, $0x1;
	v16 =	vsub.s32 $0x5F3759DF, v16  }
0x115: {  	v6 =	vld [tilespmem:s8+$0x20];
	v20 =	vmul.f32 $5.000000000e-01, v8;
	v19 =	vsub.s32 $0x5F3759DF, v19;
	v23 =	vmul.f32 v16, v15  }
0x116: {  	v11 =	vmul.f32 v11, v11;
	v0 =	vadd.f32 v10, v0;
	v10 =	vmul.f32 v13, v22  }
0x117: {  	v24 =	vmul.f32 v19, v20;
	v23 =	vmul.f32 v16, v23  }
0x118: {  	v10 =	vmul.f32 v13, v10;
	v17 =	vmul.f32 v17, v17  }
0x119: {  	v25 =	vld [tilespmem:s8+$0x10];
	v0 =	vadd.f32 v3, v0;
	v24 =	vmul.f32 v19, v24;
	v3 =	vsub.f32 $1.500000000e+00, v23  }
0x11a: {  	v6 =	vmul.f32 v6, v6;
	v10 =	vsub.f32 $1.500000000e+00, v10;
	v11 =	vadd.f32 v11, v17  }
0x11b: {  	v17 =	vadd.f32 v21, v2;
	v23 =	vsub.f32 $1.500000000e+00, v24;
	v3 =	vmul.f32 v16, v3  }
0x11c: {  	v37 =	vmul.f32 $5.000000000e-01, v0;
	v6 =	vadd.f32 v6, v9;
	v10 =	vmul.f32 v13, v10  }
0x11d: {  	v13 =	vld [tilespmem:s9+$0xA0];
	v2 =	vadd.f32 v14, v11;
	v9 =	vmul.f32 v19, v23;
	v15 =	vmul.f32 v3, v15  }
0x11e: {  	v14 =	vld [tilespmem:s9+$0x60];
	v16 =	vmul.f32 v25, v25;
	v1 =	vadd.f32 v1, v6;
	v11 =	vmul.f32 v10, v22  }
0x11f: {  	v19 =	vld [tilespmem:s9+$0xFFFFFFC0];
	v6 =	vmul.f32 v9, v20;
	v15 =	vmul.f32 v15, v3  }
0x120: {  	v25 =	vmul.f32 $5.000000000e-01, v2;
	v21 =	vshra.s32 v1, $0x1;
	v22 =	vmul.f32 $5.000000000e-01, v1  }
0x121: {  	v28 =	vld [tilespmem:s9+$0xFFFFFF40];
	v21 =	vsub.s32 $0x5F3759DF, v21;
	v6 =	vmul.f32 v6, v9;
	v15 =	vsub.f32 $1.500000000e+00, v15  }
0x122: {  	v26 =	vld [tilespmem:s9+$0xB0];
	v29 =	vshra.s32 v2, $0x1;
	v11 =	vmul.f32 v11, v10;
	v27 =	vmul.f32 v21, v22  }
0x123: {  	v23 =	vld [tilespmem:s9+$0x50];
	v34 =	vmul.f32 v13, v13;
	v6 =	vsub.f32 $1.500000000e+00, v6;
	v3 =	vmul.f32 v15, v3  }
0x124: {  	v29 =	vsub.s32 $0x5F3759DF, v29;
	v14 =	vmul.f32 v14, v14;
	v19 =	vmul.f32 v19, v19;
	v15 =	vld [tilespmem:s9+$0xFFFFFFA0]  }
0x125: {  	v20 =	vld [tilespmem:s9+$0x40];
	v9 =	vmul.f32 v6, v9;
	v32 =	vmul.f32 v3, v4;
	v4 =	vadd.f32 v5, v17  }
0x126: {  	v13 =	vld [tilespmem:s9+$0x0];
	v3 =	vmul.f32 v29, v25;
	v5 =	vadd.f32 v16, v12;
	v16 =	vmul.f32 v28, v28  }
0x127: {  	v6 =	vmul.f32 v26, v26;
	v17 =	vld [tilespmem:s9+$0x70];
	v28 =	vmul.f32 v9, v8;
	v8 =	vshra.s32 v4, $0x1  }
0x128: {  	v26 =	vmul.f32 $5.000000000e-01, v4;
	v36 =	vmul.f32 v29, v3;
	v3 =	vadd.f32 v19, v16;
	v19 =	vld [tilespmem:s9+$0xFFFFFFF0]  }
0x129: {  	v11 =	vsub.f32 $1.500000000e+00, v11;
	v33 =	vmul.f32 v15, v15;
	v8 =	vsub.s32 $0x5F3759DF, v8;
	v15 =	vld [tilespmem:s9+$0xFFFFFF90]  }
0x12a: {  	v20 =	vmul.f32 v20, v20;
	v12 =	vld [tilespmem:s9+$0xFFFFFF80];
	v5 =	vadd.f32 v18, v5;
	v18 =	vmul.f32 v8, v26  }
0x12b: {  	v23 =	vmul.f32 v23, v23;
	v10 =	vmul.f32 v11, v10;
	v9 =	vld [tilespmem:s9+$0x80];
	v11 =	vsub.f32 $1.500000000e+00, v36  }
0x12c: {  	v27 =	vmul.f32 v21, v27;
	v3 =	vadd.f32 v20, v3;
	v20 =	vld [tilespmem:s9+$0xFFFFFFE0];
	v18 =	vmul.f32 v8, v18  }
0x12d: {  	v24 =	vshra.s32 v0, $0x1;
	v57 =	vmul.f32 v19, v19;
	v19 =	vmul.f32 v29, v11;
	v29 =	vld [tilespmem:s9+$0x10]  }
0x12e: {  	v24 =	vsub.s32 $0x5F3759DF, v24;
	v13 =	vmul.f32 v13, v13;
	v40 =	vmul.f32 v15, v15;
	v15 =	vld [tilespmem:s9+$0xFFFFFFD0]  }
0x12f: {  	v45 =	vmul.f32 v10, v7;
	v41 =	vmul.f32 v12, v12;
	v12 =	vsub.f32 $1.500000000e+00, v18;
	v18 =	vld [tilespmem:s9+$0xFFFFFF50]  }
0x130: {  	v16 =	vld [tilespmem:s9+$0x20];
	v38 =	vshra.s32 v5, $0x1;
	v39 =	vmul.f32 $5.000000000e-01, v5;
	v17 =	vmul.f32 v17, v17  }
0x131: {  	v38 =	vsub.s32 $0x5F3759DF, v38;
	v9 =	vmul.f32 v9, v9;
	v10 =	vmul.f32 v20, v20;
	v20 =	vld [tilespmem:s9+$0x30]  }
0x132: {  	v27 =	vsub.f32 $1.500000000e+00, v27;
	v42 =	vmul.f32 v38, v39;
	v12 =	vmul.f32 v8, v12  }
0x133: {  	v7 =	vadd.f32 v13, v41;
	v29 =	vmul.f32 v29, v29;
	v44 =	vmul.f32 v15, v15  }
0x134: {  	v8 =	vshra.s32 v3, $0x1;
	v15 =	vmul.f32 v21, v27;
	v13 =	vmul.f32 v18, v18  }
0x135: {  	v43 =	vld [tilespmem:s9+$0xFFFFFF70];
	v21 =	vsub.s32 $0x5F3759DF, v8;
	v18 =	vmul.f32 v16, v16;
	v27 =	vmul.f32 $5.000000000e-01, v3  }
0x136: {  	v8 =	vadd.f32 v9, v7;
	v9 =	vadd.f32 v10, v30;
	v20 =	vmul.f32 v20, v20  }
0x137: {  	v62 =	vadd.f32 v29, v40;
	v7 =	vadd.f32 v44, v13;
	v10 =	vmul.f32 v15, v22  }
0x138: {  	v11 =	vmul.f32 v21, v27;
	v16 =	vshra.s32 v8, $0x1;
	v22 =	vmul.f32 v38, v42  }
0x139: {  	v9 =	vadd.f32 v14, v9;
	v59 =	vmul.f32 $5.000000000e-01, v8;
	v30 =	vsub.s32 $0x5F3759DF, v16  }
0x13a: {  	v13 =	vadd.f32 v23, v7;
	v7 =	vmul.f32 v43, v43;
	v11 =	vmul.f32 v21, v11  }
0x13b: {  	v20 =	vadd.f32 v20, v31;
	v58 =	vmul.f32 v10, v15;
	v10 =	vmul.f32 v19, v25  }
0x13c: {  	v25 =	vmul.f32 v12, v26;
	v22 =	vsub.f32 $1.500000000e+00, v22;
	v23 =	vmul.f32 $5.000000000e-01, v13  }
0x13d: {  	v14 =	vshra.s32 v13, $0x1;
	v16 =	vadd.f32 v57, v7;
	v31 =	vmul.f32 v10, v19  }
0x13e: {  	v10 =	vsub.f32 $1.500000000e+00, v11;
	v11 =	vmul.f32 v24, v37;
	v26 =	vmul.f32 v25, v12  }
0x13f: {  	v22 =	vmul.f32 v38, v22;
	v60 =	vsub.s32 $0x5F3759DF, v14;
	v14 =	vshra.s32 v9, $0x1  }
0x140: {  	v7 =	vsub.s32 $0x5F3759DF, v14;
	v14 =	vmul.f32 v30, v59;
	v61 =	vmul.f32 v60, v23  }
0x141: {  	v16 =	vadd.f32 v17, v16;
	v17 =	vadd.f32 v18, v33;
	v25 =	vmul.f32 v24, v11  }
0x142: {  	v11 =	vmul.f32 v21, v10;
	v29 =	vsub.f32 $1.500000000e+00, v31;
	v14 =	vmul.f32 v30, v14  }
0x143: {  	s1 =	simm.s32 $0x10440;
	v18 =	vadd.f32 v34, v17;
	v17 =	vmul.f32 v60, v61;
	v21 =	vsub.f32 $1.500000000e+00, v25  }
0x144: {  	[tilespmem:s1+$0xFFFFFFD0] =	vst v32;
	v32 =	vmul.f32 v22, v39;
	v63 =	vmul.f32 v11, v27;
	v14 =	vsub.f32 $1.500000000e+00, v14  }
0x145: {  	v10 =	vmul.f32 $5.000000000e-01, v16;
	v36 =	vsub.f32 $1.500000000e+00, v17;
	v24 =	vmul.f32 v24, v21  }
0x146: {  	v27 =	vsub.f32 $1.500000000e+00, v58;
	v25 =	vmul.f32 v30, v14;
	v14 =	vmul.f32 v63, v11  }
0x147: {  	s31 =	simm.s32 $0x104C0;
	[tilespmem:s1+$0x0] =	vst v28;
	v17 =	vadd.f32 v35, v62;
	v30 =	vshra.s32 v18, $0x1;
	v28 =	vmul.f32 v60, v36  }
0x148: {  	s0 =	simm.s32 $0x8;
	s8 =	simm.s32 $0x104C0;
	[tilespmem:s1+$0xFFFFFFC0] =	vst v45;
	s9 =	simm.s32 $0x54C0;
	v33 =	vmul.f32 v24, v37;
	v31 =	vmul.f32 v25, v59;
	v14 =	vsub.f32 $1.500000000e+00, v14  }
.LBB2_8:
0x149: {  	v34 =	vld [tilespmem:s9+$0xFFFFFFC0];
	s0 =	sadd.s32 $0x8, s0;
	v21 =	vmul.f32 $5.000000000e-01, v18;
	s8 =	sadd.s32 $0x80, s8;
	v32 =	vmul.f32 v32, v22;
	v26 =	vsub.f32 $1.500000000e+00, v26  }
0x14a: {  	v35 =	vld [tilespmem:s9+$0xA0];
	p1 =	slt.u32 s0, $0x138;
	v36 =	vmul.f32 v28, v23;
	v23 =	vsub.s32 $0x5F3759DF, v30;
	v30 =	vmul.f32 v33, v24  }
0x14b: {  	v31 =	vmul.f32 v31, v25;
	v19 =	vmul.f32 v29, v19;
	v33 =	vld [tilespmem:s9+$0x40];
	v29 =	vsub.f32 $1.500000000e+00, v32  }
0x14c: {  	v15 =	vmul.f32 v27, v15;
	v32 =	vld [tilespmem:s9+$0x60];
	v36 =	vmul.f32 v36, v28;
	v30 =	vsub.f32 $1.500000000e+00, v30  }
0x14d: {  	v31 =	vsub.f32 $1.500000000e+00, v31;
	v37 =	vmul.f32 v23, v21;
	v12 =	vmul.f32 v26, v12;
	v27 =	vld [tilespmem:s9+$0x50]  }
0x14e: {  	v19 =	vmul.f32 v19, v2;
	v2 =	vmovc v16;
	v26 =	vmul.f32 v34, v34;
	v34 =	vld [tilespmem:s9+$0xB0];
	v36 =	vsub.f32 $1.500000000e+00, v36  }
0x14f: {  	v15 =	vmul.f32 v15, v1;
	v1 =	vmovc v18;
	v38 =	vshra.s32 v2, $0x1;
	v25 =	vmul.f32 v31, v25;
	v16 =	vld [tilespmem:s9+$0xFFFFFF40]  }
0x150: {  	v20 =	vadd.f32 v6, v20;
	v24 =	vmul.f32 v30, v24;
	v18 =	vld [tilespmem:s9+$0x90];
	v28 =	vmul.f32 v36, v28;
	[tilespmem:s1+$0xFFFFFFF0] =	vst v19  }
0x151: {  	v31 =	vsub.s32 $0x5F3759DF, v38;
	v22 =	vmul.f32 v29, v22;
	v19 =	vmul.f32 v33, v33;
	v30 =	vld [tilespmem:s9+$0xFFFFFFB0];
	[tilespmem:s1+$0x20] =	vst v15  }
0x152: {  	v29 =	vshra.s32 v20, $0x1;
	v15 =	vld [tilespmem:s9+$0xFFFFFFA0];
	v13 =	vmul.f32 v28, v13;
	v28 =	vmul.f32 v31, v10  }
0x153: {  	v12 =	vmul.f32 v12, v4;
	v4 =	vmovc v20;
	v29 =	vsub.s32 $0x5F3759DF, v29;
	v33 =	vld [tilespmem:s9+$0x70];
	v6 =	vmul.f32 v34, v34  }
0x154: {  	v20 =	vmul.f32 v27, v27;
	v27 =	vld [tilespmem:s9+$0xFFFFFF80];
	[tilespmem:s31+$0xFFFFFFD0] =	vst v13;
	v13 =	vmul.f32 v24, v0;
	v0 =	vmov v9  }
0x155: {  	v22 =	vmul.f32 v22, v5;
	v5 =	vmov v17;
	v9 =	vmul.f32 v16, v16;
	v16 =	vld [tilespmem:s9+$0x80];
	[tilespmem:s1+$0x30] =	vst v12  }
0x156: {  	v8 =	vmul.f32 v25, v8;
	v17 =	vmul.f32 $5.000000000e-01, v4;
	v12 =	vld [tilespmem:s9+$0x0];
	[tilespmem:s1+$0xFFFFFFE0] =	vst v13  }
0x157: {  	v25 =	vmul.f32 v35, v35;
	v9 =	vadd.f32 v26, v9;
	v13 =	vld [tilespmem:s9+$0xFFFFFF90];
	v24 =	vmul.f32 v15, v15;
	[tilespmem:s1+$0x10] =	vst v22;
	s1 =	smov.u32 s31;
	s31 =	smov.u32 s8  }
0x158: {  	v22 =	vmul.f32 v32, v32;
	v26 =	vld [tilespmem:s9+$0xFFFFFF70];
	[tilespmem:s1+$0x0] =	vst v8;
	v8 =	vmul.f32 v29, v17  }
0x159: {  	v32 =	vmul.f32 v18, v18;
	v18 =	vmul.f32 v31, v28;
	v15 =	vld [tilespmem:s9+$0xFFFFFF60]  }
0x15a: {  	v28 =	vmul.f32 v23, v37;
	v9 =	vadd.f32 v19, v9;
	v19 =	vld [tilespmem:s9+$0x20];
	v8 =	vmul.f32 v29, v8  }
0x15b: {  	v35 =	vmul.f32 $5.000000000e-01, v0;
	v30 =	vmul.f32 v30, v30;
	v18 =	vsub.f32 $1.500000000e+00, v18;
	v34 =	vld [tilespmem:s9+$0x10]  }
0x15c: {  	v38 =	vmul.f32 $5.000000000e-01, v5;
	v36 =	vld [tilespmem:s9+$0xFFFFFFF0];
	v37 =	vmul.f32 v13, v13;
	v13 =	vshra.s32 v5, $0x1  }
0x15d: {  	v33 =	vmul.f32 v33, v33;
	v39 =	vshra.s32 v9, $0x1;
	v40 =	vld [tilespmem:s9+$0xFFFFFFD0];
	v41 =	vsub.s32 $0x5F3759DF, v13  }
0x15e: {  	v27 =	vmul.f32 v27, v27;
	v8 =	vsub.f32 $1.500000000e+00, v8;
	v13 =	vld [tilespmem:s9+$0xFFFFFFE0];
	v42 =	vmul.f32 v41, v38  }
0x15f: {  	v11 =	vmul.f32 v14, v11;
	v39 =	vsub.s32 $0x5F3759DF, v39;
	v12 =	vmul.f32 v12, v12;
	v43 =	vld [tilespmem:s9+$0xFFFFFF50]  }
0x160: {  	v16 =	vmul.f32 v16, v16;
	v14 =	vmul.f32 v15, v15;
	v15 =	vsub.f32 $1.500000000e+00, v28  }
0x161: {  	v27 =	vadd.f32 v12, v27;
	v12 =	vmul.f32 v29, v8;
	v28 =	vmul.f32 v36, v36  }
0x162: {  	v8 =	vmul.f32 v11, v3;
	v3 =	vmov v9;
	v29 =	vmul.f32 v40, v40  }
0x163: {  	v15 =	vmul.f32 v23, v15;
	v9 =	vmul.f32 v13, v13;
	v11 =	vld [tilespmem:s9+$0x30]  }
0x164: {  	v36 =	vmul.f32 v19, v19;
	v13 =	vmul.f32 v43, v43;
	[tilespmem:s1+$0xFFFFFFC0] =	vst v8  }
0x165: {  	v19 =	vmul.f32 v31, v18;
	v40 =	vmul.f32 $5.000000000e-01, v3;
	v8 =	vadd.f32 v16, v27  }
0x166: {  	v9 =	vadd.f32 v9, v14;
	v14 =	vmul.f32 v15, v21;
	v13 =	vadd.f32 v29, v13  }
0x167: {  	v16 =	vmul.f32 v39, v40;
	v21 =	vmul.f32 v41, v42;
	v18 =	vshra.s32 v8, $0x1  }
0x168: {  	v13 =	vadd.f32 v20, v13;
	v20 =	vmul.f32 v26, v26;
	v11 =	vmul.f32 v11, v11  }
0x169: {  	v16 =	vmul.f32 v39, v16;
	v29 =	vsub.s32 $0x5F3759DF, v18;
	v14 =	vmul.f32 v14, v15  }
0x16a: {  	v10 =	vmul.f32 v19, v10;
	v9 =	vadd.f32 v22, v9;
	v23 =	vmul.f32 $5.000000000e-01, v13  }
0x16b: {  	v17 =	vmul.f32 v12, v17;
	v31 =	vmul.f32 $5.000000000e-01, v8;
	v18 =	vshra.s32 v13, $0x1  }
0x16c: {  	v22 =	vadd.f32 v28, v20;
	v42 =	vsub.s32 $0x5F3759DF, v18;
	v18 =	vshra.s32 v9, $0x1  }
0x16d: {  	v21 =	vsub.f32 $1.500000000e+00, v21;
	v28 =	vsub.s32 $0x5F3759DF, v18;
	v18 =	vmul.f32 v29, v31  }
0x16e: {  	v27 =	vmul.f32 v34, v34;
	v20 =	vadd.f32 v11, v30;
	v30 =	vmul.f32 v10, v19  }
0x16f: {  	v10 =	vsub.f32 $1.500000000e+00, v16;
	v11 =	vmul.f32 v7, v35;
	v34 =	vmul.f32 v42, v23  }
0x170: {  	v26 =	vmul.f32 v17, v12;
	v16 =	vadd.f32 v33, v22;
	v22 =	vadd.f32 v36, v24  }
0x171: {  	v33 =	vadd.f32 v27, v37;
	v24 =	vmul.f32 v7, v11;
	v17 =	vmul.f32 v29, v18  }
0x172: {  	v11 =	vmul.f32 v39, v10;
	v18 =	vadd.f32 v25, v22;
	v22 =	vmul.f32 v41, v21  }
0x173: {  	v21 =	vmul.f32 v42, v34;
	v24 =	vsub.f32 $1.500000000e+00, v24;
	v17 =	vsub.f32 $1.500000000e+00, v17  }
.Ltmp7:
0x174: {  	v27 =	vsub.f32 $1.500000000e+00, v14;
	v34 =	vmul.f32 v11, v40;
	v10 =	vmul.f32 $5.000000000e-01, v16;
	(pc) =	sbr.rel @p1 .LBB2_8-.Ltmp7, $4  }
0x175: {  	v21 =	vsub.f32 $1.500000000e+00, v21;
	v25 =	vmul.f32 v29, v17;
	v29 =	vsub.f32 $1.500000000e+00, v30  }
0x176: {  	v14 =	vmul.f32 v34, v11;
	v24 =	vmul.f32 v7, v24;
	v7 =	vmovc v28;
	v30 =	vshra.s32 v18, $0x1  }
0x177: {  	v17 =	vadd.f32 v32, v33;
	v32 =	vmul.f32 v22, v38;
	v31 =	vmul.f32 v25, v31  }
0x178: {  	s9 =	sadd.s32 $0x200, s9;
	v14 =	vsub.f32 $1.500000000e+00, v14;
	v28 =	vmul.f32 v42, v21;
	v33 =	vmul.f32 v24, v35  }
0x179: {  	v21 =	vmul.f32 $5.000000000e-01, v18  }
0x17a: {  	v32 =	vmul.f32 v32, v22;
	v26 =	vsub.f32 $1.500000000e+00, v26;
	v31 =	vmul.f32 v31, v25  }
0x17b: {  	v30 =	vsub.s32 $0x5F3759DF, v30;
	v19 =	vmul.f32 v29, v19;
	v15 =	vmul.f32 v27, v15  }
0x17c: {  	v62 =	vshra.s32 v16, $0x1;
	v41 =	vmul.f32 $5.000000000e-01, v9;
	v43 =	vmul.f32 $5.000000000e-01, v17  }
0x17d: {  	v6 =	vadd.f32 v6, v20;
	v23 =	vmul.f32 v28, v23;
	v33 =	vmul.f32 v33, v24  }
0x17e: {  	v42 =	vshra.s32 v17, $0x1;
	v56 =	vmul.f32 v14, v11;
	v60 =	vmul.f32 v30, v21  }
0x17f: {  	v27 =	vsub.s32 $0x5F3759DF, v42;
	v12 =	vmul.f32 v26, v12;
	v2 =	vmul.f32 v19, v2  }
0x180: {  	v59 =	vsub.f32 $1.500000000e+00, v31;
	v1 =	vmul.f32 v15, v1;
	v37 =	vmul.f32 $5.000000000e-01, v6  }
0x181: {  	v19 =	vsub.s32 $0x5F3759DF, v62;
	v44 =	vmul.f32 v7, v41;
	v23 =	vmul.f32 v23, v28  }
0x182: {  	v58 =	vsub.f32 $1.500000000e+00, v32;
	v45 =	vmul.f32 v27, v43;
	v35 =	vmul.f32 v19, v10  }
0x183: {  	v3 =	vmul.f32 v56, v3;
	v63 =	vmul.f32 v59, v25;
	v23 =	vsub.f32 $1.500000000e+00, v23  }
0x184: {  	v34 =	vmul.f32 v58, v22;
	v4 =	vmul.f32 v12, v4  }
0x185: {  	v36 =	vshra.s32 v6, $0x1;
	v40 =	vmul.f32 v30, v60;
	v23 =	vmul.f32 v23, v28  }
0x186: {  	v61 =	vsub.f32 $1.500000000e+00, v33;
	v29 =	vmul.f32 v7, v44;
	v39 =	vmul.f32 v19, v35  }
0x187: {  	v22 =	vsub.f32 $1.500000000e+00, v40;
	v13 =	vmul.f32 v23, v13;
	v23 =	vsub.s32 $0x5F3759DF, v36  }
0x188: {  	v46 =	vmul.f32 v27, v45;
	v47 =	vsub.f32 $1.500000000e+00, v29;
	v38 =	vmul.f32 v23, v37  }
0x189: {  	v33 =	vmul.f32 v61, v24;
	v15 =	vsub.f32 $1.500000000e+00, v39;
	v22 =	vmul.f32 v30, v22  }
0x18a: {  	v49 =	vmul.f32 v7, v47;
	v12 =	vmul.f32 v23, v38  }
0x18b: {  	v5 =	vmul.f32 v34, v5;
	v15 =	vmul.f32 v19, v15;
	v19 =	vsub.f32 $1.500000000e+00, v46  }
0x18c: {  	v21 =	vmul.f32 v22, v21;
	v53 =	vmul.f32 v49, v41;
	v12 =	vsub.f32 $1.500000000e+00, v12  }
0x18d: {  	v48 =	vmul.f32 v15, v10;
	v51 =	vmul.f32 v27, v19  }
0x18e: {  	[tilespmem:s1+$0xFFFFFFF0] =	vst v2;
	v52 =	vmul.f32 v21, v22;
	v12 =	vmul.f32 v23, v12  }
0x18f: {  	[tilespmem:s1+$0x20] =	vst v1;
	v57 =	vmul.f32 v53, v49;
	v55 =	vmul.f32 v51, v43  }
0x190: {  	[tilespmem:s31+$0xFFFFFFC0] =	vst v3;
	v50 =	vmul.f32 v48, v15;
	v1 =	vsub.f32 $1.500000000e+00, v52;
	v23 =	vmul.f32 v12, v37  }
0x191: {  	[tilespmem:s1+$0x30] =	vst v4;
	v0 =	vmul.f32 v33, v0;
	v59 =	vsub.f32 $1.500000000e+00, v57;
	v58 =	vmul.f32 v55, v51  }
0x192: {  	[tilespmem:s1+$0x10] =	vst v5;
	v2 =	vsub.f32 $1.500000000e+00, v50;
	v1 =	vmul.f32 v1, v22;
	v54 =	vmul.f32 v23, v12  }
0x193: {  	v8 =	vmul.f32 v63, v8;
	[tilespmem:s1+$0xFFFFFFE0] =	vst v0;
	v61 =	vmul.f32 v59, v49;
	v0 =	vsub.f32 $1.500000000e+00, v58  }
0x194: {  	[tilespmem:s31+$0xFFFFFFD0] =	vst v13;
	v2 =	vmul.f32 v2, v15;
	v1 =	vmul.f32 v1, v18;
	v13 =	vsub.f32 $1.500000000e+00, v54  }
0x195: {  	[tilespmem:s31+$0x0] =	vst v8;
	v63 =	vmul.f32 v61, v9;
	v0 =	vmul.f32 v0, v51  }
0x196: {  	v2 =	vmul.f32 v2, v16;
	[tilespmem:s31+$0x20] =	vst v1;
	v60 =	vmul.f32 v13, v12  }
0x197: {  	[tilespmem:s31+$0xFFFFFFE0] =	vst v63;
	v0 =	vmul.f32 v0, v17  }
0x198: {  	s0 =	smul.u32 $0x280, s30;
	[tilespmem:s31+$0xFFFFFFF0] =	vst v2;
	v62 =	vmul.f32 v60, v6  }
0x199: {  	[tilespmem:s31+$0x10] =	vst v0  }
0x19a: {  	s0 =	sadd.s32 s3, s0;
	[tilespmem:s31+$0x30] =	vst v62  }
0x19b: {  	[hbm4b:s0+s5] =	stream.linear.scatter [tilespmem:s15], [sflag:$0x8], $0x1400, $0x38;
	[tilespmem:$0x12C00] =	vst v63  }
.LBB2_10:
.Ltmp8:
0x19c: {  	(pc) =	sbr.rel @p0 .LBB2_14-.Ltmp8, $1  }
0x19d: {  	_ =	sdelay $0x3  }
0x19e: {  	s0 =	sadd.s32 $0x4, s29  }
0x19f: {  	p0 =	sge.u32 s0, s7  }
0x1a0: {  	s1 =	simm.s32 @!p0 $0x5;
	s0 =	sadd.s32 @!p0 s6, s0  }
0x1a1: {  	_ =	swait.ge @!p0 [sflag:s1], $0x5000;
	s0 =	smul.u32 @!p0 $0xA00, s0  }
0x1a2: {  	s28 =	sadd.s32 s6, s28;
	s8 =	simm.s32 @!p0 $0x5000;
	[sflag:s1] =	ssyncset.done @!p0 $0x0  }
0x1a3: {  	[sflag:s1] =	ssyncadd.s32 @!p0 $0xFFFFB000;
	s0 =	sadd.s32 @!p0 s2, s0;
	s1 =	simm.s32 @!p0 $0x0  }
0x1a4: {  	[tilespmem:s8], [sflag:$0x2] =	stream.linear.gather @!p0 [hbm4b:s0+s1], $0x5000, $0x38;
	[tilespmem:$0x12C00] =	vst v63  }
0x1a5: {  	s9 =	smul.u32 $0xA00, s28;
	_ =	swait.ge [sflag:s16], $0x5000  }
0x1a6: {  	[sflag:s16] =	ssyncset.done $0x0  }
0x1a7: {  	s0 =	sadd.s32 s4, s9;
	p0 =	seq.s32 s26, $0x0;
	[sflag:s16] =	ssyncadd.s32 $0xFFFFB000  }
0x1a8: {  	[hbm4b:s0+s5] =	stream.linear.scatter [tilespmem:s17], [sflag:$0x6], $0x5000, $0x38;
	[tilespmem:$0x12C00] =	vst v63  }
0x1a9: {  	s0 =	simm.s32 @!p0 $0x9  }
0x1aa: {  	_ =	swait.ge @!p0 [sflag:s0], $0x1400  }
0x1ab: {  	[sflag:s0] =	ssyncset.done @!p0 $0x0  }
0x1ac: {  	s30 =	simm.s32 $0xA0C0;
	[sflag:s0] =	ssyncadd.s32 @!p0 $0xFFFFEC00  }
0x1ad: {  	v0 =	vld [tilespmem:s30+$0xFFFFFFC0]  }
0x1ae: {  	v1 =	vld [tilespmem:s30+$0xA0]  }
0x1af: {  	v2 =	vld [tilespmem:s30+$0x40]  }
0x1b0: {  	v3 =	vld [tilespmem:s30+$0x60]  }
0x1b1: {  	v4 =	vld [tilespmem:s30+$0x50]  }
0x1b2: {  	v5 =	vld [tilespmem:s30+$0xB0]  }
0x1b3: {  	v6 =	vld [tilespmem:s30+$0xFFFFFF40]  }
0x1b4: {  	v7 =	vld [tilespmem:s30+$0x90]  }
0x1b5: {  	v8 =	vld [tilespmem:s30+$0xFFFFFFB0]  }
0x1b6: {  	v9 =	vld [tilespmem:s30+$0xFFFFFFA0]  }
0x1b7: {  	v10 =	vld [tilespmem:s30+$0xFFFFFF80]  }
0x1b8: {  	v11 =	vld [tilespmem:s30+$0xFFFFFFD0]  }
0x1b9: {  	v12 =	vld [tilespmem:s30+$0xFFFFFF50]  }
0x1ba: {  	v13 =	vld [tilespmem:s30+$0x0]  }
0x1bb: {  	s31 =	simm.s32 $0xA2C0;
	v14 =	vld [tilespmem:s30+$0x70];
	v0 =	vmul.f32 v0, v0  }
0x1bc: {  	v30 =	vld [tilespmem:s31+$0x90];
	v2 =	vmul.f32 v2, v2;
	v5 =	vmul.f32 v5, v5  }
0x1bd: {  	v21 =	vld [tilespmem:s30+$0x30];
	v4 =	vmul.f32 v4, v4;
	v6 =	vmul.f32 v6, v6  }
0x1be: {  	v31 =	vld [tilespmem:s31+$0xFFFFFFB0];
	v9 =	vmul.f32 v9, v9;
	v1 =	vmul.f32 v1, v1  }
0x1bf: {  	v15 =	vld [tilespmem:s30+$0x80];
	v3 =	vmul.f32 v3, v3;
	v11 =	vmul.f32 v11, v11  }
0x1c0: {  	v16 =	vld [tilespmem:s30+$0xFFFFFF90];
	v12 =	vmul.f32 v12, v12;
	v10 =	vmul.f32 v10, v10  }
0x1c1: {  	v13 =	vmul.f32 v13, v13;
	v35 =	vmul.f32 v30, v30;
	v30 =	vld [tilespmem:s31+$0xFFFFFF60]  }
0x1c2: {  	v17 =	vld [tilespmem:s30+$0xFFFFFFE0];
	v18 =	vmul.f32 v7, v7;
	v14 =	vmul.f32 v14, v14;
	v0 =	vadd.f32 v0, v6  }
0x1c3: {  	v21 =	vmul.f32 v21, v21;
	v31 =	vmul.f32 v31, v31;
	v6 =	vld [tilespmem:s30+$0xFFFFFF60]  }
0x1c4: {  	v7 =	vadd.f32 v2, v0;
	v0 =	vadd.f32 v11, v12;
	v2 =	vmul.f32 v8, v8  }
0x1c5: {  	v10 =	vadd.f32 v13, v10;
	v8 =	vmul.f32 v15, v15;
	v12 =	vmul.f32 v16, v16  }
0x1c6: {  	v11 =	vld [tilespmem:s30+$0xFFFFFFF0];
	v30 =	vmul.f32 v30, v30;
	v13 =	vshra.s32 v7, $0x1;
	v4 =	vadd.f32 v4, v0  }
0x1c7: {  	v8 =	vadd.f32 v8, v10;
	v10 =	vmul.f32 v17, v17;
	v22 =	vmul.f32 $5.000000000e-01, v7  }
0x1c8: {  	v17 =	vld [tilespmem:s30+$0xFFFFFF70];
	v0 =	vmul.f32 v6, v6;
	v15 =	vmul.f32 $5.000000000e-01, v4;
	v16 =	vshra.s32 v4, $0x1  }
0x1c9: {  	v13 =	vsub.s32 $0x5F3759DF, v13;
	v19 =	vshra.s32 v8, $0x1;
	v16 =	vsub.s32 $0x5F3759DF, v16  }
0x1ca: {  	v6 =	vld [tilespmem:s30+$0x20];
	v20 =	vmul.f32 $5.000000000e-01, v8;
	v19 =	vsub.s32 $0x5F3759DF, v19;
	v23 =	vmul.f32 v16, v15  }
0x1cb: {  	v11 =	vmul.f32 v11, v11;
	v0 =	vadd.f32 v10, v0;
	v10 =	vmul.f32 v13, v22  }
0x1cc: {  	v24 =	vmul.f32 v19, v20;
	v23 =	vmul.f32 v16, v23  }
0x1cd: {  	v10 =	vmul.f32 v13, v10;
	v17 =	vmul.f32 v17, v17  }
0x1ce: {  	v25 =	vld [tilespmem:s30+$0x10];
	v0 =	vadd.f32 v3, v0;
	v24 =	vmul.f32 v19, v24;
	v3 =	vsub.f32 $1.500000000e+00, v23  }
0x1cf: {  	v6 =	vmul.f32 v6, v6;
	v10 =	vsub.f32 $1.500000000e+00, v10;
	v11 =	vadd.f32 v11, v17  }
0x1d0: {  	v17 =	vadd.f32 v21, v2;
	v23 =	vsub.f32 $1.500000000e+00, v24;
	v3 =	vmul.f32 v16, v3  }
0x1d1: {  	v37 =	vmul.f32 $5.000000000e-01, v0;
	v6 =	vadd.f32 v6, v9;
	v10 =	vmul.f32 v13, v10  }
0x1d2: {  	v13 =	vld [tilespmem:s31+$0xA0];
	v2 =	vadd.f32 v14, v11;
	v9 =	vmul.f32 v19, v23;
	v15 =	vmul.f32 v3, v15  }
0x1d3: {  	v14 =	vld [tilespmem:s31+$0x60];
	v16 =	vmul.f32 v25, v25;
	v1 =	vadd.f32 v1, v6;
	v11 =	vmul.f32 v10, v22  }
0x1d4: {  	v19 =	vld [tilespmem:s31+$0xFFFFFFC0];
	v6 =	vmul.f32 v9, v20;
	v15 =	vmul.f32 v15, v3  }
0x1d5: {  	v25 =	vmul.f32 $5.000000000e-01, v2;
	v21 =	vshra.s32 v1, $0x1;
	v22 =	vmul.f32 $5.000000000e-01, v1  }
0x1d6: {  	v28 =	vld [tilespmem:s31+$0xFFFFFF40];
	v21 =	vsub.s32 $0x5F3759DF, v21;
	v6 =	vmul.f32 v6, v9;
	v15 =	vsub.f32 $1.500000000e+00, v15  }
0x1d7: {  	v26 =	vld [tilespmem:s31+$0xB0];
	v29 =	vshra.s32 v2, $0x1;
	v11 =	vmul.f32 v11, v10;
	v27 =	vmul.f32 v21, v22  }
0x1d8: {  	v23 =	vld [tilespmem:s31+$0x50];
	v34 =	vmul.f32 v13, v13;
	v6 =	vsub.f32 $1.500000000e+00, v6;
	v3 =	vmul.f32 v15, v3  }
0x1d9: {  	v29 =	vsub.s32 $0x5F3759DF, v29;
	v14 =	vmul.f32 v14, v14;
	v19 =	vmul.f32 v19, v19;
	v15 =	vld [tilespmem:s31+$0xFFFFFFA0]  }
0x1da: {  	v20 =	vld [tilespmem:s31+$0x40];
	v9 =	vmul.f32 v6, v9;
	v32 =	vmul.f32 v3, v4;
	v4 =	vadd.f32 v5, v17  }
0x1db: {  	v13 =	vld [tilespmem:s31+$0x0];
	v3 =	vmul.f32 v29, v25;
	v5 =	vadd.f32 v16, v12;
	v16 =	vmul.f32 v28, v28  }
0x1dc: {  	v6 =	vmul.f32 v26, v26;
	v17 =	vld [tilespmem:s31+$0x70];
	v28 =	vmul.f32 v9, v8;
	v8 =	vshra.s32 v4, $0x1  }
0x1dd: {  	v26 =	vmul.f32 $5.000000000e-01, v4;
	v36 =	vmul.f32 v29, v3;
	v3 =	vadd.f32 v19, v16;
	v19 =	vld [tilespmem:s31+$0xFFFFFFF0]  }
0x1de: {  	v11 =	vsub.f32 $1.500000000e+00, v11;
	v33 =	vmul.f32 v15, v15;
	v8 =	vsub.s32 $0x5F3759DF, v8;
	v15 =	vld [tilespmem:s31+$0xFFFFFF90]  }
0x1df: {  	v20 =	vmul.f32 v20, v20;
	v12 =	vld [tilespmem:s31+$0xFFFFFF80];
	v5 =	vadd.f32 v18, v5;
	v18 =	vmul.f32 v8, v26  }
0x1e0: {  	v23 =	vmul.f32 v23, v23;
	v10 =	vmul.f32 v11, v10;
	v9 =	vld [tilespmem:s31+$0x80];
	v11 =	vsub.f32 $1.500000000e+00, v36  }
0x1e1: {  	v27 =	vmul.f32 v21, v27;
	v3 =	vadd.f32 v20, v3;
	v20 =	vld [tilespmem:s31+$0xFFFFFFE0];
	v18 =	vmul.f32 v8, v18  }
0x1e2: {  	v24 =	vshra.s32 v0, $0x1;
	v57 =	vmul.f32 v19, v19;
	v19 =	vmul.f32 v29, v11;
	v29 =	vld [tilespmem:s31+$0x10]  }
0x1e3: {  	v24 =	vsub.s32 $0x5F3759DF, v24;
	v13 =	vmul.f32 v13, v13;
	v40 =	vmul.f32 v15, v15;
	v15 =	vld [tilespmem:s31+$0xFFFFFFD0]  }
0x1e4: {  	v45 =	vmul.f32 v10, v7;
	v41 =	vmul.f32 v12, v12;
	v12 =	vsub.f32 $1.500000000e+00, v18;
	v18 =	vld [tilespmem:s31+$0xFFFFFF50]  }
0x1e5: {  	v16 =	vld [tilespmem:s31+$0x20];
	v38 =	vshra.s32 v5, $0x1;
	v39 =	vmul.f32 $5.000000000e-01, v5;
	v17 =	vmul.f32 v17, v17  }
0x1e6: {  	v38 =	vsub.s32 $0x5F3759DF, v38;
	v9 =	vmul.f32 v9, v9;
	v10 =	vmul.f32 v20, v20;
	v20 =	vld [tilespmem:s31+$0x30]  }
0x1e7: {  	v27 =	vsub.f32 $1.500000000e+00, v27;
	v42 =	vmul.f32 v38, v39;
	v12 =	vmul.f32 v8, v12  }
0x1e8: {  	v7 =	vadd.f32 v13, v41;
	v29 =	vmul.f32 v29, v29;
	v44 =	vmul.f32 v15, v15  }
0x1e9: {  	v8 =	vshra.s32 v3, $0x1;
	v15 =	vmul.f32 v21, v27;
	v13 =	vmul.f32 v18, v18  }
0x1ea: {  	v43 =	vld [tilespmem:s31+$0xFFFFFF70];
	v21 =	vsub.s32 $0x5F3759DF, v8;
	v18 =	vmul.f32 v16, v16;
	v27 =	vmul.f32 $5.000000000e-01, v3  }
0x1eb: {  	v8 =	vadd.f32 v9, v7;
	v9 =	vadd.f32 v10, v30;
	v20 =	vmul.f32 v20, v20  }
0x1ec: {  	v62 =	vadd.f32 v29, v40;
	v7 =	vadd.f32 v44, v13;
	v10 =	vmul.f32 v15, v22  }
0x1ed: {  	v11 =	vmul.f32 v21, v27;
	v16 =	vshra.s32 v8, $0x1;
	v22 =	vmul.f32 v38, v42  }
0x1ee: {  	v9 =	vadd.f32 v14, v9;
	v59 =	vmul.f32 $5.000000000e-01, v8;
	v30 =	vsub.s32 $0x5F3759DF, v16  }
0x1ef: {  	v13 =	vadd.f32 v23, v7;
	v7 =	vmul.f32 v43, v43;
	v11 =	vmul.f32 v21, v11  }
0x1f0: {  	v20 =	vadd.f32 v20, v31;
	v58 =	vmul.f32 v10, v15;
	v10 =	vmul.f32 v19, v25  }
0x1f1: {  	v25 =	vmul.f32 v12, v26;
	v22 =	vsub.f32 $1.500000000e+00, v22;
	v23 =	vmul.f32 $5.000000000e-01, v13  }
0x1f2: {  	v14 =	vshra.s32 v13, $0x1;
	v16 =	vadd.f32 v57, v7;
	v31 =	vmul.f32 v10, v19  }
0x1f3: {  	v10 =	vsub.f32 $1.500000000e+00, v11;
	v11 =	vmul.f32 v24, v37;
	v26 =	vmul.f32 v25, v12  }
0x1f4: {  	v22 =	vmul.f32 v38, v22;
	v60 =	vsub.s32 $0x5F3759DF, v14;
	v14 =	vshra.s32 v9, $0x1  }
0x1f5: {  	v7 =	vsub.s32 $0x5F3759DF, v14;
	v14 =	vmul.f32 v30, v59;
	v61 =	vmul.f32 v60, v23  }
0x1f6: {  	v16 =	vadd.f32 v17, v16;
	v17 =	vadd.f32 v18, v33;
	v25 =	vmul.f32 v24, v11  }
0x1f7: {  	v11 =	vmul.f32 v21, v10;
	v29 =	vsub.f32 $1.500000000e+00, v31;
	v14 =	vmul.f32 v30, v14  }
0x1f8: {  	s1 =	simm.s32 $0x11840;
	v18 =	vadd.f32 v34, v17;
	v17 =	vmul.f32 v60, v61;
	v21 =	vsub.f32 $1.500000000e+00, v25  }
0x1f9: {  	[tilespmem:s1+$0xFFFFFFD0] =	vst v32;
	v32 =	vmul.f32 v22, v39;
	v63 =	vmul.f32 v11, v27;
	v14 =	vsub.f32 $1.500000000e+00, v14  }
0x1fa: {  	v10 =	vmul.f32 $5.000000000e-01, v16;
	v36 =	vsub.f32 $1.500000000e+00, v17;
	v24 =	vmul.f32 v24, v21  }
0x1fb: {  	v27 =	vsub.f32 $1.500000000e+00, v58;
	v25 =	vmul.f32 v30, v14;
	v14 =	vmul.f32 v63, v11  }
0x1fc: {  	s29 =	simm.s32 $0x118C0;
	[tilespmem:s1+$0x0] =	vst v28;
	v17 =	vadd.f32 v35, v62;
	v30 =	vshra.s32 v18, $0x1;
	v28 =	vmul.f32 v60, v36  }
0x1fd: {  	s8 =	simm.s32 $0x118C0;
	s9 =	simm.s32 $0xA4C0;
	s0 =	simm.s32 $0x8;
	[tilespmem:s1+$0xFFFFFFC0] =	vst v45;
	v33 =	vmul.f32 v24, v37;
	v31 =	vmul.f32 v25, v59;
	v14 =	vsub.f32 $1.500000000e+00, v14  }
.LBB2_12:
0x1fe: {  	v34 =	vld [tilespmem:s9+$0xFFFFFFC0];
	s0 =	sadd.s32 $0x8, s0;
	v21 =	vmul.f32 $5.000000000e-01, v18;
	s8 =	sadd.s32 $0x80, s8;
	v32 =	vmul.f32 v32, v22;
	v26 =	vsub.f32 $1.500000000e+00, v26  }
0x1ff: {  	v35 =	vld [tilespmem:s9+$0xA0];
	p0 =	slt.u32 s0, $0x138;
	v36 =	vmul.f32 v28, v23;
	v23 =	vsub.s32 $0x5F3759DF, v30;
	v30 =	vmul.f32 v33, v24  }
0x200: {  	v31 =	vmul.f32 v31, v25;
	v19 =	vmul.f32 v29, v19;
	v33 =	vld [tilespmem:s9+$0x40];
	v29 =	vsub.f32 $1.500000000e+00, v32  }
0x201: {  	v15 =	vmul.f32 v27, v15;
	v32 =	vld [tilespmem:s9+$0x60];
	v36 =	vmul.f32 v36, v28;
	v30 =	vsub.f32 $1.500000000e+00, v30  }
0x202: {  	v31 =	vsub.f32 $1.500000000e+00, v31;
	v37 =	vmul.f32 v23, v21;
	v12 =	vmul.f32 v26, v12;
	v27 =	vld [tilespmem:s9+$0x50]  }
0x203: {  	v19 =	vmul.f32 v19, v2;
	v2 =	vmovc v16;
	v26 =	vmul.f32 v34, v34;
	v34 =	vld [tilespmem:s9+$0xB0];
	v36 =	vsub.f32 $1.500000000e+00, v36  }
0x204: {  	v15 =	vmul.f32 v15, v1;
	v1 =	vmovc v18;
	v38 =	vshra.s32 v2, $0x1;
	v25 =	vmul.f32 v31, v25;
	v16 =	vld [tilespmem:s9+$0xFFFFFF40]  }
0x205: {  	v20 =	vadd.f32 v6, v20;
	v24 =	vmul.f32 v30, v24;
	v18 =	vld [tilespmem:s9+$0x90];
	v28 =	vmul.f32 v36, v28;
	[tilespmem:s1+$0xFFFFFFF0] =	vst v19  }
0x206: {  	v31 =	vsub.s32 $0x5F3759DF, v38;
	v22 =	vmul.f32 v29, v22;
	v19 =	vmul.f32 v33, v33;
	v30 =	vld [tilespmem:s9+$0xFFFFFFB0];
	[tilespmem:s1+$0x20] =	vst v15  }
0x207: {  	v29 =	vshra.s32 v20, $0x1;
	v15 =	vld [tilespmem:s9+$0xFFFFFFA0];
	v13 =	vmul.f32 v28, v13;
	v28 =	vmul.f32 v31, v10  }
0x208: {  	v12 =	vmul.f32 v12, v4;
	v4 =	vmovc v20;
	v29 =	vsub.s32 $0x5F3759DF, v29;
	v33 =	vld [tilespmem:s9+$0x70];
	v6 =	vmul.f32 v34, v34  }
0x209: {  	v20 =	vmul.f32 v27, v27;
	v27 =	vld [tilespmem:s9+$0xFFFFFF80];
	[tilespmem:s29+$0xFFFFFFD0] =	vst v13;
	v13 =	vmul.f32 v24, v0;
	v0 =	vmov v9  }
0x20a: {  	v22 =	vmul.f32 v22, v5;
	v5 =	vmov v17;
	v9 =	vmul.f32 v16, v16;
	v16 =	vld [tilespmem:s9+$0x80];
	[tilespmem:s1+$0x30] =	vst v12  }
0x20b: {  	v8 =	vmul.f32 v25, v8;
	v17 =	vmul.f32 $5.000000000e-01, v4;
	v12 =	vld [tilespmem:s9+$0x0];
	[tilespmem:s1+$0xFFFFFFE0] =	vst v13  }
0x20c: {  	v25 =	vmul.f32 v35, v35;
	v9 =	vadd.f32 v26, v9;
	v13 =	vld [tilespmem:s9+$0xFFFFFF90];
	v24 =	vmul.f32 v15, v15;
	[tilespmem:s1+$0x10] =	vst v22;
	s1 =	smov.u32 s29;
	s29 =	smov.u32 s8  }
0x20d: {  	v22 =	vmul.f32 v32, v32;
	v26 =	vld [tilespmem:s9+$0xFFFFFF70];
	[tilespmem:s1+$0x0] =	vst v8;
	v8 =	vmul.f32 v29, v17  }
0x20e: {  	v32 =	vmul.f32 v18, v18;
	v18 =	vmul.f32 v31, v28;
	v15 =	vld [tilespmem:s9+$0xFFFFFF60]  }
0x20f: {  	v28 =	vmul.f32 v23, v37;
	v9 =	vadd.f32 v19, v9;
	v19 =	vld [tilespmem:s9+$0x20];
	v8 =	vmul.f32 v29, v8  }
0x210: {  	v35 =	vmul.f32 $5.000000000e-01, v0;
	v30 =	vmul.f32 v30, v30;
	v18 =	vsub.f32 $1.500000000e+00, v18;
	v34 =	vld [tilespmem:s9+$0x10]  }
0x211: {  	v38 =	vmul.f32 $5.000000000e-01, v5;
	v36 =	vld [tilespmem:s9+$0xFFFFFFF0];
	v37 =	vmul.f32 v13, v13;
	v13 =	vshra.s32 v5, $0x1  }
0x212: {  	v33 =	vmul.f32 v33, v33;
	v39 =	vshra.s32 v9, $0x1;
	v40 =	vld [tilespmem:s9+$0xFFFFFFD0];
	v41 =	vsub.s32 $0x5F3759DF, v13  }
0x213: {  	v27 =	vmul.f32 v27, v27;
	v8 =	vsub.f32 $1.500000000e+00, v8;
	v13 =	vld [tilespmem:s9+$0xFFFFFFE0];
	v42 =	vmul.f32 v41, v38  }
0x214: {  	v11 =	vmul.f32 v14, v11;
	v39 =	vsub.s32 $0x5F3759DF, v39;
	v12 =	vmul.f32 v12, v12;
	v43 =	vld [tilespmem:s9+$0xFFFFFF50]  }
0x215: {  	v16 =	vmul.f32 v16, v16;
	v14 =	vmul.f32 v15, v15;
	v15 =	vsub.f32 $1.500000000e+00, v28  }
0x216: {  	v27 =	vadd.f32 v12, v27;
	v12 =	vmul.f32 v29, v8;
	v28 =	vmul.f32 v36, v36  }
0x217: {  	v8 =	vmul.f32 v11, v3;
	v3 =	vmov v9;
	v29 =	vmul.f32 v40, v40  }
0x218: {  	v15 =	vmul.f32 v23, v15;
	v9 =	vmul.f32 v13, v13;
	v11 =	vld [tilespmem:s9+$0x30]  }
0x219: {  	v36 =	vmul.f32 v19, v19;
	v13 =	vmul.f32 v43, v43;
	[tilespmem:s1+$0xFFFFFFC0] =	vst v8  }
0x21a: {  	v19 =	vmul.f32 v31, v18;
	v40 =	vmul.f32 $5.000000000e-01, v3;
	v8 =	vadd.f32 v16, v27  }
0x21b: {  	v9 =	vadd.f32 v9, v14;
	v14 =	vmul.f32 v15, v21;
	v13 =	vadd.f32 v29, v13  }
0x21c: {  	v16 =	vmul.f32 v39, v40;
	v21 =	vmul.f32 v41, v42;
	v18 =	vshra.s32 v8, $0x1  }
0x21d: {  	v13 =	vadd.f32 v20, v13;
	v20 =	vmul.f32 v26, v26;
	v11 =	vmul.f32 v11, v11  }
0x21e: {  	v16 =	vmul.f32 v39, v16;
	v29 =	vsub.s32 $0x5F3759DF, v18;
	v14 =	vmul.f32 v14, v15  }
0x21f: {  	v10 =	vmul.f32 v19, v10;
	v9 =	vadd.f32 v22, v9;
	v23 =	vmul.f32 $5.000000000e-01, v13  }
0x220: {  	v17 =	vmul.f32 v12, v17;
	v31 =	vmul.f32 $5.000000000e-01, v8;
	v18 =	vshra.s32 v13, $0x1  }
0x221: {  	v22 =	vadd.f32 v28, v20;
	v42 =	vsub.s32 $0x5F3759DF, v18;
	v18 =	vshra.s32 v9, $0x1  }
0x222: {  	v21 =	vsub.f32 $1.500000000e+00, v21;
	v28 =	vsub.s32 $0x5F3759DF, v18;
	v18 =	vmul.f32 v29, v31  }
0x223: {  	v27 =	vmul.f32 v34, v34;
	v20 =	vadd.f32 v11, v30;
	v30 =	vmul.f32 v10, v19  }
0x224: {  	v10 =	vsub.f32 $1.500000000e+00, v16;
	v11 =	vmul.f32 v7, v35;
	v34 =	vmul.f32 v42, v23  }
0x225: {  	v26 =	vmul.f32 v17, v12;
	v16 =	vadd.f32 v33, v22;
	v22 =	vadd.f32 v36, v24  }
0x226: {  	v33 =	vadd.f32 v27, v37;
	v24 =	vmul.f32 v7, v11;
	v17 =	vmul.f32 v29, v18  }
0x227: {  	v11 =	vmul.f32 v39, v10;
	v18 =	vadd.f32 v25, v22;
	v22 =	vmul.f32 v41, v21  }
0x228: {  	v21 =	vmul.f32 v42, v34;
	v24 =	vsub.f32 $1.500000000e+00, v24;
	v17 =	vsub.f32 $1.500000000e+00, v17  }
.Ltmp9:
0x229: {  	v27 =	vsub.f32 $1.500000000e+00, v14;
	v34 =	vmul.f32 v11, v40;
	v10 =	vmul.f32 $5.000000000e-01, v16;
	(pc) =	sbr.rel @p0 .LBB2_12-.Ltmp9, $4  }
0x22a: {  	v21 =	vsub.f32 $1.500000000e+00, v21;
	v25 =	vmul.f32 v29, v17;
	v29 =	vsub.f32 $1.500000000e+00, v30  }
0x22b: {  	v14 =	vmul.f32 v34, v11;
	v24 =	vmul.f32 v7, v24;
	v7 =	vmovc v28;
	v30 =	vshra.s32 v18, $0x1  }
0x22c: {  	v17 =	vadd.f32 v32, v33;
	v32 =	vmul.f32 v22, v38;
	v31 =	vmul.f32 v25, v31  }
0x22d: {  	s9 =	sadd.s32 $0x200, s9;
	v14 =	vsub.f32 $1.500000000e+00, v14;
	v28 =	vmul.f32 v42, v21;
	v33 =	vmul.f32 v24, v35  }
0x22e: {  	v21 =	vmul.f32 $5.000000000e-01, v18  }
0x22f: {  	v32 =	vmul.f32 v32, v22;
	v26 =	vsub.f32 $1.500000000e+00, v26;
	v31 =	vmul.f32 v31, v25  }
0x230: {  	v30 =	vsub.s32 $0x5F3759DF, v30;
	v19 =	vmul.f32 v29, v19;
	v15 =	vmul.f32 v27, v15  }
0x231: {  	v62 =	vshra.s32 v16, $0x1;
	v41 =	vmul.f32 $5.000000000e-01, v9;
	v43 =	vmul.f32 $5.000000000e-01, v17  }
0x232: {  	v6 =	vadd.f32 v6, v20;
	v23 =	vmul.f32 v28, v23;
	v33 =	vmul.f32 v33, v24  }
0x233: {  	v42 =	vshra.s32 v17, $0x1;
	v56 =	vmul.f32 v14, v11;
	v60 =	vmul.f32 v30, v21  }
0x234: {  	v27 =	vsub.s32 $0x5F3759DF, v42;
	v12 =	vmul.f32 v26, v12;
	v2 =	vmul.f32 v19, v2  }
0x235: {  	v59 =	vsub.f32 $1.500000000e+00, v31;
	v1 =	vmul.f32 v15, v1;
	v37 =	vmul.f32 $5.000000000e-01, v6  }
0x236: {  	v19 =	vsub.s32 $0x5F3759DF, v62;
	v44 =	vmul.f32 v7, v41;
	v23 =	vmul.f32 v23, v28  }
0x237: {  	v58 =	vsub.f32 $1.500000000e+00, v32;
	v45 =	vmul.f32 v27, v43;
	v35 =	vmul.f32 v19, v10  }
0x238: {  	v3 =	vmul.f32 v56, v3;
	v63 =	vmul.f32 v59, v25;
	v23 =	vsub.f32 $1.500000000e+00, v23  }
0x239: {  	v34 =	vmul.f32 v58, v22;
	v4 =	vmul.f32 v12, v4  }
0x23a: {  	v36 =	vshra.s32 v6, $0x1;
	v40 =	vmul.f32 v30, v60;
	v23 =	vmul.f32 v23, v28  }
0x23b: {  	v61 =	vsub.f32 $1.500000000e+00, v33;
	v29 =	vmul.f32 v7, v44;
	v39 =	vmul.f32 v19, v35  }
0x23c: {  	v22 =	vsub.f32 $1.500000000e+00, v40;
	v13 =	vmul.f32 v23, v13;
	v23 =	vsub.s32 $0x5F3759DF, v36  }
0x23d: {  	v46 =	vmul.f32 v27, v45;
	v47 =	vsub.f32 $1.500000000e+00, v29;
	v38 =	vmul.f32 v23, v37  }
0x23e: {  	v33 =	vmul.f32 v61, v24;
	v15 =	vsub.f32 $1.500000000e+00, v39;
	v22 =	vmul.f32 v30, v22  }
0x23f: {  	v49 =	vmul.f32 v7, v47;
	v12 =	vmul.f32 v23, v38  }
0x240: {  	v5 =	vmul.f32 v34, v5;
	v15 =	vmul.f32 v19, v15;
	v19 =	vsub.f32 $1.500000000e+00, v46  }
0x241: {  	v21 =	vmul.f32 v22, v21;
	v53 =	vmul.f32 v49, v41;
	v12 =	vsub.f32 $1.500000000e+00, v12  }
0x242: {  	v48 =	vmul.f32 v15, v10;
	v51 =	vmul.f32 v27, v19  }
0x243: {  	[tilespmem:s1+$0xFFFFFFF0] =	vst v2;
	v52 =	vmul.f32 v21, v22;
	v12 =	vmul.f32 v23, v12  }
0x244: {  	[tilespmem:s1+$0x20] =	vst v1;
	v57 =	vmul.f32 v53, v49;
	v55 =	vmul.f32 v51, v43  }
0x245: {  	[tilespmem:s29+$0xFFFFFFC0] =	vst v3;
	v50 =	vmul.f32 v48, v15;
	v1 =	vsub.f32 $1.500000000e+00, v52;
	v23 =	vmul.f32 v12, v37  }
0x246: {  	[tilespmem:s1+$0x30] =	vst v4;
	v0 =	vmul.f32 v33, v0;
	v59 =	vsub.f32 $1.500000000e+00, v57;
	v58 =	vmul.f32 v55, v51  }
0x247: {  	[tilespmem:s1+$0x10] =	vst v5;
	v2 =	vsub.f32 $1.500000000e+00, v50;
	v1 =	vmul.f32 v1, v22;
	v54 =	vmul.f32 v23, v12  }
0x248: {  	v8 =	vmul.f32 v63, v8;
	[tilespmem:s1+$0xFFFFFFE0] =	vst v0;
	v61 =	vmul.f32 v59, v49;
	v0 =	vsub.f32 $1.500000000e+00, v58  }
0x249: {  	[tilespmem:s29+$0xFFFFFFD0] =	vst v13;
	v2 =	vmul.f32 v2, v15;
	v1 =	vmul.f32 v1, v18;
	v13 =	vsub.f32 $1.500000000e+00, v54  }
0x24a: {  	[tilespmem:s29+$0x0] =	vst v8;
	v63 =	vmul.f32 v61, v9;
	v0 =	vmul.f32 v0, v51  }
0x24b: {  	v2 =	vmul.f32 v2, v16;
	[tilespmem:s29+$0x20] =	vst v1;
	v60 =	vmul.f32 v13, v12  }
.Ltmp10:
0x24c: {  	[tilespmem:s29+$0xFFFFFFE0] =	vst v63;
	v0 =	vmul.f32 v0, v17;
	(pc) =	sbr.rel .LBB2_14-.Ltmp10, $4  }
0x24d: {  	s0 =	smul.u32 $0x280, s28;
	[tilespmem:s29+$0xFFFFFFF0] =	vst v2;
	v62 =	vmul.f32 v60, v6  }
0x24e: {  	[tilespmem:s29+$0x10] =	vst v0  }
0x24f: {  	s0 =	sadd.s32 s3, s0;
	[tilespmem:s29+$0x30] =	vst v62  }
0x250: {  	[hbm4b:s0+s5] =	stream.linear.scatter [tilespmem:s18], [sflag:$0x9], $0x1400, $0x38;
	[tilespmem:$0x12C00] =	vst v63  }
.LBB2_16:
0x251: {  	_ =	sfence.sel $0x180000  }
0x252: {  	[bflag:$0x0] =	sbarrier.arrive $0xFFFF  }
0x253: {  	_ =	strace $0x90000047  }
0x254: {  	s0 =	stileid.u32;
	[bflag:$0x2] =	sbarrier.arrive $0xFFFF  }
0x255: {  	p0 =	sne.s32 s0, $0x0;
	s0 =	rddreg [dreg:$0x3]  }
0x256: {  	s0 =	sadd.s32 @!p0 $0x100000, s0  }
0x257: {  	[sflag:s0] =	ssyncadd.tile.s32 @!p0 $0x1;
	_ =	shalt  }
.Lfunc_end2:
_tile_overlayer_lowered:
.L_overlay_start_2:
0x258: {  	(tag) =	ssettag $0x2  }
0x259: {  	s0 =	rddreg [dreg:$0x0];
	s2 =	stileid.u32  }
0x25a: {  	s1 =	rddreg [dreg:$0x1];
	p0 =	sne.s32 s2, $0x0  }
0x25b: {  	s3 =	rddreg [dreg:$0x2];
	[bflag:$0x3] =	sbarrier.arrive $0xFFFF;
	s2 =	simm.s32 @!p0 $0x1C0A  }
0x25c: {  	[timem:s3], [sflag:s2] =	dma.local @!p0 [hbm:s0], s1  }
0x25d: {  	s0 =	simm.s32 @!p0 $0xA  }
0x25e: {  	_ =	swait.ge @!p0 [sflag:s0], s1  }
0x25f: {  	s1 =	ssub.s32 @!p0 $0x0, s1;
	[sflag:s0] =	ssyncset.done @!p0 $0x0  }
0x260: {  	[sflag:s0] =	ssyncadd.s32 @!p0 s1  }
0x261: {  	[bflag:$0x3] =	sbarrier.arrive $0xFFFF  }
0x262: {  	_ =	shalt  }

</sc_bundles>
